<compile_context>
chip_gen: v7x
topology: tpu7x:2x2x1
jax: 0.10.2.dev20260603
libtpu: 0.0.44.dev20260713+nightly
codegen_flags: <defaults>
</compile_context>

<pallas_src>
import functools

import jax
import jax.numpy as jnp
from jax import lax
from jax.experimental import pallas as pl
from jax.experimental.pallas import tpu as pltpu
from jax.experimental.pallas import tpu_sc as plsc

_NUM_EXPERTS = 64
_EPAD = 128
_HIDDEN = 2048
_TOP_K = 8
_TOKENS = 16384
_BT = 512

_NEG_INF = float("-inf")

_NCHUNK = 2
_CTOK = _TOKENS // _NCHUNK
_NW = 32
_TPW = _CTOK // _NW


def _tree_row_sumsq(x):
    x2 = x * x
    parts = [x2[:, k * 128:(k + 1) * 128] for k in range(x.shape[1] // 128)]
    while len(parts) > 1:
        parts = [parts[2 * j] + parts[2 * j + 1]
                 for j in range(len(parts) // 2)]
    return jnp.sum(parts[0], axis=1, keepdims=True)


def _proto_norm_block(pt_ref, pnt_ref):
    pt = pt_ref[...]
    pnorm = jnp.sqrt(jnp.sum(pt * pt, axis=0, keepdims=True))
    pnt_ref[...] = pt / jnp.maximum(pnorm, 1e-12)


def _probs_block(h_ref, pn_ref, p_ref):
    h = h_ref[...]
    hnorm = jnp.maximum(jnp.sqrt(_tree_row_sumsq(h)), 1e-12)
    hn = h / hnorm
    logits = jax.lax.dot_general(
        hn, pn_ref[...],
        (((1,), (0,)), ((), ())),
        preferred_element_type=jnp.float32,
    )
    iota_f = jax.lax.broadcasted_iota(
        jnp.int32, (_BT, _EPAD), 1).astype(jnp.float32)
    logits = jnp.where(iota_f < _NUM_EXPERTS, logits, _NEG_INF)
    m = jnp.max(logits, axis=1, keepdims=True)
    e = jnp.exp(logits - m)
    z = jnp.sum(e, axis=1, keepdims=True)
    probs = e / z
    p_ref[...] = probs[:, :_NUM_EXPERTS]


def _sc_merge(ak, av, bk, bv):
    rbk = lax.rev(bk, (0,))
    rbv = lax.rev(bv, (0,))
    take_a = (ak > rbk) | ((ak == rbk) & (av < rbv))
    mk = jnp.where(take_a, ak, rbk)
    mv = jnp.where(take_a, av, rbv)
    return plsc.sort_key_val(mk, mv, descending=True)


@functools.partial(
    pl.kernel,
    mesh=plsc.VectorSubcoreMesh(core_axis_name="c", subcore_axis_name="s"),
    out_type=[
        jax.ShapeDtypeStruct((_CTOK * 16,), jnp.float32),
        jax.ShapeDtypeStruct((_CTOK * 16,), jnp.int32),
    ],
    scratch_types=[
        pltpu.VMEM((_TPW * _NUM_EXPERTS,), jnp.float32),
        pltpu.VMEM((_TPW * 16,), jnp.float32),
        pltpu.VMEM((_TPW * 16,), jnp.int32),
    ],
    compiler_params=pltpu.CompilerParams(needs_layout_passes=False),
)
def _sc_topk(probs_hbm, w_hbm, i_hbm, pv, wv, iv):
    wid = lax.axis_index("s") * 2 + lax.axis_index("c")
    base = wid * _TPW
    pltpu.sync_copy(probs_hbm.at[pl.ds(base * _NUM_EXPERTS,
                                       _TPW * _NUM_EXPERTS)], pv)

    def body(t, carry):
        ks, vs = [], []
        for g in range(4):
            k = pv[pl.ds(t * _NUM_EXPERTS + g * 16, 16)]
            idx = lax.iota(jnp.int32, 16) + (g * 16)
            k, v = plsc.sort_key_val(k, idx, descending=True)
            ks.append(k)
            vs.append(v)
        k01, v01 = _sc_merge(ks[0], vs[0], ks[1], vs[1])
        k23, v23 = _sc_merge(ks[2], vs[2], ks[3], vs[3])
        kf, vf = _sc_merge(k01, v01, k23, v23)
        wv[pl.ds(t * 16, 16)] = kf
        iv[pl.ds(t * 16, 16)] = vf
        return carry

    lax.fori_loop(0, _TPW, body, 0)
    pltpu.sync_copy(wv, w_hbm.at[pl.ds(base * 16, _TPW * 16)])
    pltpu.sync_copy(iv, i_hbm.at[pl.ds(base * 16, _TPW * 16)])


@jax.jit
def kernel(hidden_states, proto):
    proto_t = jnp.pad(proto, ((0, _EPAD - _NUM_EXPERTS), (0, 0))).T
    pn = pl.pallas_call(
        _proto_norm_block,
        out_shape=jax.ShapeDtypeStruct((_HIDDEN, _EPAD), jnp.float32),
    )(proto_t)

    grid = _CTOK // _BT
    probs_call = functools.partial(
        pl.pallas_call,
        _probs_block,
        grid=(grid,),
        in_specs=[
            pl.BlockSpec((_BT, _HIDDEN), lambda i: (i, 0)),
            pl.BlockSpec((_HIDDEN, _EPAD), lambda i: (0, 0)),
        ],
        out_specs=pl.BlockSpec((_BT, _NUM_EXPERTS), lambda i: (i, 0)),
        out_shape=jax.ShapeDtypeStruct((_CTOK, _NUM_EXPERTS), jnp.float32),
        compiler_params=pltpu.CompilerParams(
            dimension_semantics=("parallel",),
        ),
    )

    ws, is_ = [], []
    for c in range(_NCHUNK):
        h_c = jax.lax.slice_in_dim(hidden_states, c * _CTOK, (c + 1) * _CTOK)
        probs = probs_call()(h_c, pn)
        w1, i1 = _sc_topk(probs.reshape(-1))
        ws.append(w1.reshape(_CTOK, 16)[:, :_TOP_K])
        is_.append(i1.reshape(_CTOK, 16)[:, :_TOP_K])
    return (jnp.concatenate(ws, axis=0), jnp.concatenate(is_, axis=0))

# --- scband reference (transcript-rebuilt; emitter-appended) ---
"""Pipeline reference for scband-cprrouter-28312424415702 (READ-ONLY COPY).

The authoritative reference and input builder live on the scoring server;
editing this copy changes nothing except your own understanding.
"""

import jax, jax.numpy as jnp
import numpy as np

NUM_EXPERTS = 64
HIDDEN = 2048
TOP_K = 8
TOKENS = 16384


def _l2_normalize(x, eps=1e-12):
    # matches torch F.normalize(p=2, dim=-1): x / max(||x||_2, eps)
    norm = jnp.linalg.norm(x, ord=2, axis=-1, keepdims=True)
    return x / jnp.maximum(norm, eps)


def setup_inputs(seed: int = 0) -> dict:
    key = jax.random.key(seed)
    k1, k2 = jax.random.split(key)
    hidden_states = jax.random.normal(k1, (TOKENS, HIDDEN), dtype=jnp.float32)
    # learned prototype parameter, init normal(std=0.02) per module __init__
    proto = jax.random.normal(k2, (NUM_EXPERTS, HIDDEN), dtype=jnp.float32) * 0.02
    return {"hidden_states": hidden_states, "proto": proto}


def reference(hidden_states, proto):
    normalized_hidden_states = _l2_normalize(hidden_states)
    normalized_proto = _l2_normalize(proto)
    router_logits = jnp.matmul(normalized_hidden_states, normalized_proto.T)
    routing_weights = jax.nn.softmax(router_logits.astype(jnp.float32), axis=-1)
    routing_weights, selected_experts = jax.lax.top_k(routing_weights, TOP_K)
    return (routing_weights, selected_experts)

if __name__ == "__main__":
    import jax
    _d = setup_inputs()
    print(jax.jit(kernel)(*tuple(_d.values())))

</pallas_src>

<mosaic_0001>
#map = affine_map<(d0, d1) -> (0)>
module attributes {stable_mosaic.version = 14 : i64} {
  func.func @_sc_topk(%arg0: i32, %arg1: i32, %arg2: memref<524288xf32, #tpu.memory_space<hbm>>, %arg3: memref<131072xf32, #tpu.memory_space<hbm>>, %arg4: memref<131072xi32, #tpu.memory_space<hbm>>, %arg5: memref<16384xf32, #tpu.memory_space<vmem>>, %arg6: memref<4096xf32, #tpu.memory_space<vmem>>, %arg7: memref<4096xi32, #tpu.memory_space<vmem>>) attributes {dimension_semantics = [#tpu.dimension_semantics<core_parallel>, #tpu.dimension_semantics<subcore_parallel>], iteration_bounds = array<i64: 2, 16>, scalar_prefetch = 0 : i64, scratch_operands = 3 : i64, tpu.core_type = #tpu.core_type<sc_vector_subcore>, window_params = [{transform_indices = #map}, {transform_indices = #map}, {transform_indices = #map}]} {
    %mul3A = arith.constant 2 : i32
    %mul3A_0 = arith.muli %arg1, %mul3A : i32
    %add3A = arith.addi %mul3A_0, %arg0 : i32
    %mul3A_1 = arith.constant 256 : i32
    %mul3A_2 = arith.muli %add3A, %mul3A_1 : i32
    %mul3A_3 = arith.constant 64 : i32
    %mul3A_4 = arith.muli %mul3A_2, %mul3A_3 : i32
    "tpu.region"() ({
      %run_scoped3A = tpu.sem_alloc : memref<!tpu.dma_semaphore, #tpu.memory_space<semaphore_mem>>
      %dma_start3A = tpu.memref_slice %arg2[%mul3A_4] : memref<524288xf32, #tpu.memory_space<hbm>> -> memref<16384xf32, #tpu.memory_space<hbm>>
      %dma_start3A_14 = tpu.memref_slice %arg2[%mul3A_4] : memref<524288xf32, #tpu.memory_space<hbm>> -> memref<16384xf32, #tpu.memory_space<hbm>>
      tpu.enqueue_dma source(%dma_start3A_14 : memref<16384xf32, #tpu.memory_space<hbm>>) target(%arg5 : memref<16384xf32, #tpu.memory_space<vmem>>) target_semaphore(%run_scoped3A : memref<!tpu.dma_semaphore, #tpu.memory_space<semaphore_mem>>)
      %dma_wait3A = tpu.memref_slice %arg2[%mul3A_4] : memref<524288xf32, #tpu.memory_space<hbm>> -> memref<16384xf32, #tpu.memory_space<hbm>>
      %dma_wait3A_15 = tpu.memref_slice %arg2[%mul3A_4] : memref<524288xf32, #tpu.memory_space<hbm>> -> memref<16384xf32, #tpu.memory_space<hbm>>
      tpu.wait_dma2 semaphore(%run_scoped3A : memref<!tpu.dma_semaphore, #tpu.memory_space<semaphore_mem>>) src(%dma_wait3A_15 : memref<16384xf32, #tpu.memory_space<hbm>>) dst(%arg5 : memref<16384xf32, #tpu.memory_space<vmem>>)
      tpu.yield
    }) : () -> ()
    %scan3A = arith.constant 0 : i32
    %scan3A_5 = arith.constant 0 : i32
    %scan3A_6 = arith.constant 256 : i32
    %scan3A_7 = arith.addi %scan3A_5, %scan3A_6 : i32
    %scan3A_8 = arith.constant 1 : i32
    scf.for %scan3A_14 = %scan3A_5 to %scan3A_7 step %scan3A_8  : i32 {
      %mul3A_15 = arith.constant 64 : i32
      %mul3A_16 = arith.muli %scan3A_14, %mul3A_15 : i32
      %add3A_17 = arith.constant 0 : i32
      %add3A_18 = arith.addi %mul3A_16, %add3A_17 : i32
      %get3A = arith.index_cast %add3A_18 : i32 to index
      %get3A_19 = tpu.vector_load %arg5[%get3A] {strides = array<i32>} : memref<16384xf32, #tpu.memory_space<vmem>>, vector<16xf32>,
      %iota3A = tpu.iota {dimensions = array<i32: 0>} : vector<16xi32>
      %add3A_20 = arith.constant 0 : i32
      %add3A_21 = vector.broadcast %add3A_20 : i32 to vector<16xi32>
      %add3A_22 = arith.addi %iota3A, %add3A_21 : vector<16xi32>
      %masked_sort3A = arith.constant dense<true> : vector<16xi1>
      %masked_sort3A_23, %masked_sort3A_24, %masked_sort3A_25 = tpu.sort %get3A_19, %add3A_22 masked %masked_sort3A {descending = true} : (vector<16xf32>, vector<16xi32>, vector<16xi1>) -> (vector<16xi1>, vector<16xf32>, vector<16xi32>)
      %mul3A_26 = arith.constant 64 : i32
      %mul3A_27 = arith.muli %scan3A_14, %mul3A_26 : i32
      %add3A_28 = arith.constant 16 : i32
      %add3A_29 = arith.addi %mul3A_27, %add3A_28 : i32
      %get3A_30 = arith.index_cast %add3A_29 : i32 to index
      %get3A_31 = tpu.vector_load %arg5[%get3A_30] {strides = array<i32>} : memref<16384xf32, #tpu.memory_space<vmem>>, vector<16xf32>,
      %iota3A_32 = tpu.iota {dimensions = array<i32: 0>} : vector<16xi32>
      %add3A_33 = arith.constant 16 : i32
      %add3A_34 = vector.broadcast %add3A_33 : i32 to vector<16xi32>
      %add3A_35 = arith.addi %iota3A_32, %add3A_34 : vector<16xi32>
      %masked_sort3A_36 = arith.constant dense<true> : vector<16xi1>
      %masked_sort3A_37, %masked_sort3A_38, %masked_sort3A_39 = tpu.sort %get3A_31, %add3A_35 masked %masked_sort3A_36 {descending = true} : (vector<16xf32>, vector<16xi32>, vector<16xi1>) -> (vector<16xi1>, vector<16xf32>, vector<16xi32>)
      %mul3A_40 = arith.constant 64 : i32
      %mul3A_41 = arith.muli %scan3A_14, %mul3A_40 : i32
      %add3A_42 = arith.constant 32 : i32
      %add3A_43 = arith.addi %mul3A_41, %add3A_42 : i32
      %get3A_44 = arith.index_cast %add3A_43 : i32 to index
      %get3A_45 = tpu.vector_load %arg5[%get3A_44] {strides = array<i32>} : memref<16384xf32, #tpu.memory_space<vmem>>, vector<16xf32>,
      %iota3A_46 = tpu.iota {dimensions = array<i32: 0>} : vector<16xi32>
      %add3A_47 = arith.constant 32 : i32
      %add3A_48 = vector.broadcast %add3A_47 : i32 to vector<16xi32>
      %add3A_49 = arith.addi %iota3A_46, %add3A_48 : vector<16xi32>
      %masked_sort3A_50 = arith.constant dense<true> : vector<16xi1>
      %masked_sort3A_51, %masked_sort3A_52, %masked_sort3A_53 = tpu.sort %get3A_45, %add3A_49 masked %masked_sort3A_50 {descending = true} : (vector<16xf32>, vector<16xi32>, vector<16xi1>) -> (vector<16xi1>, vector<16xf32>, vector<16xi32>)
      %mul3A_54 = arith.constant 64 : i32
      %mul3A_55 = arith.muli %scan3A_14, %mul3A_54 : i32
      %add3A_56 = arith.constant 48 : i32
      %add3A_57 = arith.addi %mul3A_55, %add3A_56 : i32
      %get3A_58 = arith.index_cast %add3A_57 : i32 to index
      %get3A_59 = tpu.vector_load %arg5[%get3A_58] {strides = array<i32>} : memref<16384xf32, #tpu.memory_space<vmem>>, vector<16xf32>,
      %iota3A_60 = tpu.iota {dimensions = array<i32: 0>} : vector<16xi32>
      %add3A_61 = arith.constant 48 : i32
      %add3A_62 = vector.broadcast %add3A_61 : i32 to vector<16xi32>
      %add3A_63 = arith.addi %iota3A_60, %add3A_62 : vector<16xi32>
      %masked_sort3A_64 = arith.constant dense<true> : vector<16xi1>
      %masked_sort3A_65, %masked_sort3A_66, %masked_sort3A_67 = tpu.sort %get3A_59, %add3A_63 masked %masked_sort3A_64 {descending = true} : (vector<16xf32>, vector<16xi32>, vector<16xi1>) -> (vector<16xi1>, vector<16xf32>, vector<16xi32>)
      %rev3A = arith.constant 15 : i32
      %rev3A_68 = vector.broadcast %rev3A : i32 to vector<16xi32>
      %rev3A_69 = tpu.iota {dimensions = array<i32: 0>} : vector<16xi32>
      %rev3A_70 = arith.subi %rev3A_68, %rev3A_69 : vector<16xi32>
      %rev3A_71 = tpu.dynamic_gather %masked_sort3A_38[%rev3A_70] in [0] : vector<16xf32>, vector<16xi32> -> vector<16xf32>
      %rev3A_72 = arith.constant 15 : i32
      %rev3A_73 = vector.broadcast %rev3A_72 : i32 to vector<16xi32>
      %rev3A_74 = tpu.iota {dimensions = array<i32: 0>} : vector<16xi32>
      %rev3A_75 = arith.subi %rev3A_73, %rev3A_74 : vector<16xi32>
      %rev3A_76 = tpu.dynamic_gather %masked_sort3A_39[%rev3A_75] in [0] : vector<16xi32>, vector<16xi32> -> vector<16xi32>
      %gt3A = arith.cmpf ogt, %masked_sort3A_24, %rev3A_71 : vector<16xf32>
      %eq3A = arith.cmpf oeq, %masked_sort3A_24, %rev3A_71 : vector<16xf32>
      %lt3A = arith.cmpi slt, %masked_sort3A_25, %rev3A_76 : vector<16xi32>
      %and3A = arith.andi %eq3A, %lt3A : vector<16xi1>
      %or3A = arith.ori %gt3A, %and3A : vector<16xi1>
      %select_n3A = arith.select %or3A, %masked_sort3A_24, %rev3A_71 : vector<16xi1>, vector<16xf32>
      %select_n3A_77 = arith.select %or3A, %masked_sort3A_25, %rev3A_76 : vector<16xi1>, vector<16xi32>
      %masked_sort3A_78 = arith.constant dense<true> : vector<16xi1>
      %masked_sort3A_79, %masked_sort3A_80, %masked_sort3A_81 = tpu.sort %select_n3A, %select_n3A_77 masked %masked_sort3A_78 {descending = true} : (vector<16xf32>, vector<16xi32>, vector<16xi1>) -> (vector<16xi1>, vector<16xf32>, vector<16xi32>)
      %rev3A_82 = arith.constant 15 : i32
      %rev3A_83 = vector.broadcast %rev3A_82 : i32 to vector<16xi32>
      %rev3A_84 = tpu.iota {dimensions = array<i32: 0>} : vector<16xi32>
      %rev3A_85 = arith.subi %rev3A_83, %rev3A_84 : vector<16xi32>
      %rev3A_86 = tpu.dynamic_gather %masked_sort3A_66[%rev3A_85] in [0] : vector<16xf32>, vector<16xi32> -> vector<16xf32>
      %rev3A_87 = arith.constant 15 : i32
      %rev3A_88 = vector.broadcast %rev3A_87 : i32 to vector<16xi32>
      %rev3A_89 = tpu.iota {dimensions = array<i32: 0>} : vector<16xi32>
      %rev3A_90 = arith.subi %rev3A_88, %rev3A_89 : vector<16xi32>
      %rev3A_91 = tpu.dynamic_gather %masked_sort3A_67[%rev3A_90] in [0] : vector<16xi32>, vector<16xi32> -> vector<16xi32>
      %gt3A_92 = arith.cmpf ogt, %masked_sort3A_52, %rev3A_86 : vector<16xf32>
      %eq3A_93 = arith.cmpf oeq, %masked_sort3A_52, %rev3A_86 : vector<16xf32>
      %lt3A_94 = arith.cmpi slt, %masked_sort3A_53, %rev3A_91 : vector<16xi32>
      %and3A_95 = arith.andi %eq3A_93, %lt3A_94 : vector<16xi1>
      %or3A_96 = arith.ori %gt3A_92, %and3A_95 : vector<16xi1>
      %select_n3A_97 = arith.select %or3A_96, %masked_sort3A_52, %rev3A_86 : vector<16xi1>, vector<16xf32>
      %select_n3A_98 = arith.select %or3A_96, %masked_sort3A_53, %rev3A_91 : vector<16xi1>, vector<16xi32>
      %masked_sort3A_99 = arith.constant dense<true> : vector<16xi1>
      %masked_sort3A_100, %masked_sort3A_101, %masked_sort3A_102 = tpu.sort %select_n3A_97, %select_n3A_98 masked %masked_sort3A_99 {descending = true} : (vector<16xf32>, vector<16xi32>, vector<16xi1>) -> (vector<16xi1>, vector<16xf32>, vector<16xi32>)
      %rev3A_103 = arith.constant 15 : i32
      %rev3A_104 = vector.broadcast %rev3A_103 : i32 to vector<16xi32>
      %rev3A_105 = tpu.iota {dimensions = array<i32: 0>} : vector<16xi32>
      %rev3A_106 = arith.subi %rev3A_104, %rev3A_105 : vector<16xi32>
      %rev3A_107 = tpu.dynamic_gather %masked_sort3A_101[%rev3A_106] in [0] : vector<16xf32>, vector<16xi32> -> vector<16xf32>
      %rev3A_108 = arith.constant 15 : i32
      %rev3A_109 = vector.broadcast %rev3A_108 : i32 to vector<16xi32>
      %rev3A_110 = tpu.iota {dimensions = array<i32: 0>} : vector<16xi32>
      %rev3A_111 = arith.subi %rev3A_109, %rev3A_110 : vector<16xi32>
      %rev3A_112 = tpu.dynamic_gather %masked_sort3A_102[%rev3A_111] in [0] : vector<16xi32>, vector<16xi32> -> vector<16xi32>
      %gt3A_113 = arith.cmpf ogt, %masked_sort3A_80, %rev3A_107 : vector<16xf32>
      %eq3A_114 = arith.cmpf oeq, %masked_sort3A_80, %rev3A_107 : vector<16xf32>
      %lt3A_115 = arith.cmpi slt, %masked_sort3A_81, %rev3A_112 : vector<16xi32>
      %and3A_116 = arith.andi %eq3A_114, %lt3A_115 : vector<16xi1>
      %or3A_117 = arith.ori %gt3A_113, %and3A_116 : vector<16xi1>
      %select_n3A_118 = arith.select %or3A_117, %masked_sort3A_80, %rev3A_107 : vector<16xi1>, vector<16xf32>
      %select_n3A_119 = arith.select %or3A_117, %masked_sort3A_81, %rev3A_112 : vector<16xi1>, vector<16xi32>
      %masked_sort3A_120 = arith.constant dense<true> : vector<16xi1>
      %masked_sort3A_121, %masked_sort3A_122, %masked_sort3A_123 = tpu.sort %select_n3A_118, %select_n3A_119 masked %masked_sort3A_120 {descending = true} : (vector<16xf32>, vector<16xi32>, vector<16xi1>) -> (vector<16xi1>, vector<16xf32>, vector<16xi32>)
      %mul3A_124 = arith.constant 16 : i32
      %mul3A_125 = arith.muli %scan3A_14, %mul3A_124 : i32
      %swap3A = arith.index_cast %mul3A_125 : i32 to index
      %swap3A_126 = tpu.vector_load %arg6[%swap3A] {strides = array<i32>} : memref<4096xf32, #tpu.memory_space<vmem>>, vector<16xf32>,
      tpu.vector_store %arg6[%swap3A], %masked_sort3A_122 {strides = array<i32>} : memref<4096xf32, #tpu.memory_space<vmem>>, vector<16xf32>,
      %mul3A_127 = arith.constant 16 : i32
      %mul3A_128 = arith.muli %scan3A_14, %mul3A_127 : i32
      %swap3A_129 = arith.index_cast %mul3A_128 : i32 to index
      %swap3A_130 = tpu.vector_load %arg7[%swap3A_129] {strides = array<i32>} : memref<4096xi32, #tpu.memory_space<vmem>>, vector<16xi32>,
      tpu.vector_store %arg7[%swap3A_129], %masked_sort3A_123 {strides = array<i32>} : memref<4096xi32, #tpu.memory_space<vmem>>, vector<16xi32>,
    }
    %scan3A_9 = arith.constant 256 : i32
    %mul3A_10 = arith.constant 16 : i32
    %mul3A_11 = arith.muli %mul3A_2, %mul3A_10 : i32
    "tpu.region"() ({
      %run_scoped3A = tpu.sem_alloc : memref<!tpu.dma_semaphore, #tpu.memory_space<semaphore_mem>>
      %dma_start3A = tpu.memref_slice %arg3[%mul3A_11] : memref<131072xf32, #tpu.memory_space<hbm>> -> memref<4096xf32, #tpu.memory_space<hbm>>
      %dma_start3A_14 = tpu.memref_slice %arg3[%mul3A_11] : memref<131072xf32, #tpu.memory_space<hbm>> -> memref<4096xf32, #tpu.memory_space<hbm>>
      tpu.enqueue_dma source(%arg6 : memref<4096xf32, #tpu.memory_space<vmem>>) target(%dma_start3A_14 : memref<4096xf32, #tpu.memory_space<hbm>>) target_semaphore(%run_scoped3A : memref<!tpu.dma_semaphore, #tpu.memory_space<semaphore_mem>>)
      %dma_wait3A = tpu.memref_slice %arg3[%mul3A_11] : memref<131072xf32, #tpu.memory_space<hbm>> -> memref<4096xf32, #tpu.memory_space<hbm>>
      %dma_wait3A_15 = tpu.memref_slice %arg3[%mul3A_11] : memref<131072xf32, #tpu.memory_space<hbm>> -> memref<4096xf32, #tpu.memory_space<hbm>>
      tpu.wait_dma2 semaphore(%run_scoped3A : memref<!tpu.dma_semaphore, #tpu.memory_space<semaphore_mem>>) src(%arg6 : memref<4096xf32, #tpu.memory_space<vmem>>) dst(%dma_wait3A_15 : memref<4096xf32, #tpu.memory_space<hbm>>)
      tpu.yield
    }) : () -> ()
    %mul3A_12 = arith.constant 16 : i32
    %mul3A_13 = arith.muli %mul3A_2, %mul3A_12 : i32
    "tpu.region"() ({
      %run_scoped3A = tpu.sem_alloc : memref<!tpu.dma_semaphore, #tpu.memory_space<semaphore_mem>>
      %dma_start3A = tpu.memref_slice %arg4[%mul3A_13] : memref<131072xi32, #tpu.memory_space<hbm>> -> memref<4096xi32, #tpu.memory_space<hbm>>
      %dma_start3A_14 = tpu.memref_slice %arg4[%mul3A_13] : memref<131072xi32, #tpu.memory_space<hbm>> -> memref<4096xi32, #tpu.memory_space<hbm>>
      tpu.enqueue_dma source(%arg7 : memref<4096xi32, #tpu.memory_space<vmem>>) target(%dma_start3A_14 : memref<4096xi32, #tpu.memory_space<hbm>>) target_semaphore(%run_scoped3A : memref<!tpu.dma_semaphore, #tpu.memory_space<semaphore_mem>>)
      %dma_wait3A = tpu.memref_slice %arg4[%mul3A_13] : memref<131072xi32, #tpu.memory_space<hbm>> -> memref<4096xi32, #tpu.memory_space<hbm>>
      %dma_wait3A_15 = tpu.memref_slice %arg4[%mul3A_13] : memref<131072xi32, #tpu.memory_space<hbm>> -> memref<4096xi32, #tpu.memory_space<hbm>>
      tpu.wait_dma2 semaphore(%run_scoped3A : memref<!tpu.dma_semaphore, #tpu.memory_space<semaphore_mem>>) src(%arg7 : memref<4096xi32, #tpu.memory_space<vmem>>) dst(%dma_wait3A_15 : memref<4096xi32, #tpu.memory_space<hbm>>)
      tpu.yield
    }) : () -> ()
    return
  }
}

#map = affine_map<(d0, d1) -> (0)>
module attributes {stable_mosaic.version = 14 : i64} {
  func.func @_sc_topk(%arg0: i32, %arg1: i32, %arg2: memref<524288xf32, #tpu.memory_space<hbm>>, %arg3: memref<131072xf32, #tpu.memory_space<hbm>>, %arg4: memref<131072xi32, #tpu.memory_space<hbm>>, %arg5: memref<16384xf32, #tpu.memory_space<vmem>>, %arg6: memref<4096xf32, #tpu.memory_space<vmem>>, %arg7: memref<4096xi32, #tpu.memory_space<vmem>>) attributes {dimension_semantics = [#tpu.dimension_semantics<core_parallel>, #tpu.dimension_semantics<subcore_parallel>], iteration_bounds = array<i64: 2, 16>, scalar_prefetch = 0 : i64, scratch_operands = 3 : i64, tpu.core_type = #tpu.core_type<sc_vector_subcore>, window_params = [{transform_indices = #map}, {transform_indices = #map}, {transform_indices = #map}]} {
    %mul3A = arith.constant 2 : i32
    %mul3A_0 = arith.muli %arg1, %mul3A : i32
    %add3A = arith.addi %mul3A_0, %arg0 : i32
    %mul3A_1 = arith.constant 256 : i32
    %mul3A_2 = arith.muli %add3A, %mul3A_1 : i32
    %mul3A_3 = arith.constant 64 : i32
    %mul3A_4 = arith.muli %mul3A_2, %mul3A_3 : i32
    "tpu.region"() ({
      %run_scoped3A = tpu.sem_alloc : memref<!tpu.dma_semaphore, #tpu.memory_space<semaphore_mem>>
      %dma_start3A = tpu.memref_slice %arg2[%mul3A_4] : memref<524288xf32, #tpu.memory_space<hbm>> -> memref<16384xf32, #tpu.memory_space<hbm>>
      %dma_start3A_14 = tpu.memref_slice %arg2[%mul3A_4] : memref<524288xf32, #tpu.memory_space<hbm>> -> memref<16384xf32, #tpu.memory_space<hbm>>
      tpu.enqueue_dma source(%dma_start3A_14 : memref<16384xf32, #tpu.memory_space<hbm>>) target(%arg5 : memref<16384xf32, #tpu.memory_space<vmem>>) target_semaphore(%run_scoped3A : memref<!tpu.dma_semaphore, #tpu.memory_space<semaphore_mem>>)
      %dma_wait3A = tpu.memref_slice %arg2[%mul3A_4] : memref<524288xf32, #tpu.memory_space<hbm>> -> memref<16384xf32, #tpu.memory_space<hbm>>
      %dma_wait3A_15 = tpu.memref_slice %arg2[%mul3A_4] : memref<524288xf32, #tpu.memory_space<hbm>> -> memref<16384xf32, #tpu.memory_space<hbm>>
      tpu.wait_dma2 semaphore(%run_scoped3A : memref<!tpu.dma_semaphore, #tpu.memory_space<semaphore_mem>>) src(%dma_wait3A_15 : memref<16384xf32, #tpu.memory_space<hbm>>) dst(%arg5 : memref<16384xf32, #tpu.memory_space<vmem>>)
      tpu.yield
    }) : () -> ()
    %scan3A = arith.constant 0 : i32
    %scan3A_5 = arith.constant 0 : i32
    %scan3A_6 = arith.constant 256 : i32
    %scan3A_7 = arith.addi %scan3A_5, %scan3A_6 : i32
    %scan3A_8 = arith.constant 1 : i32
    scf.for %scan3A_14 = %scan3A_5 to %scan3A_7 step %scan3A_8  : i32 {
      %mul3A_15 = arith.constant 64 : i32
      %mul3A_16 = arith.muli %scan3A_14, %mul3A_15 : i32
      %add3A_17 = arith.constant 0 : i32
      %add3A_18 = arith.addi %mul3A_16, %add3A_17 : i32
      %get3A = arith.index_cast %add3A_18 : i32 to index
      %get3A_19 = tpu.vector_load %arg5[%get3A] {strides = array<i32>} : memref<16384xf32, #tpu.memory_space<vmem>>, vector<16xf32>,
      %iota3A = tpu.iota {dimensions = array<i32: 0>} : vector<16xi32>
      %add3A_20 = arith.constant 0 : i32
      %add3A_21 = vector.broadcast %add3A_20 : i32 to vector<16xi32>
      %add3A_22 = arith.addi %iota3A, %add3A_21 : vector<16xi32>
      %masked_sort3A = arith.constant dense<true> : vector<16xi1>
      %masked_sort3A_23, %masked_sort3A_24, %masked_sort3A_25 = tpu.sort %get3A_19, %add3A_22 masked %masked_sort3A {descending = true} : (vector<16xf32>, vector<16xi32>, vector<16xi1>) -> (vector<16xi1>, vector<16xf32>, vector<16xi32>)
      %mul3A_26 = arith.constant 64 : i32
      %mul3A_27 = arith.muli %scan3A_14, %mul3A_26 : i32
      %add3A_28 = arith.constant 16 : i32
      %add3A_29 = arith.addi %mul3A_27, %add3A_28 : i32
      %get3A_30 = arith.index_cast %add3A_29 : i32 to index
      %get3A_31 = tpu.vector_load %arg5[%get3A_30] {strides = array<i32>} : memref<16384xf32, #tpu.memory_space<vmem>>, vector<16xf32>,
      %iota3A_32 = tpu.iota {dimensions = array<i32: 0>} : vector<16xi32>
      %add3A_33 = arith.constant 16 : i32
      %add3A_34 = vector.broadcast %add3A_33 : i32 to vector<16xi32>
      %add3A_35 = arith.addi %iota3A_32, %add3A_34 : vector<16xi32>
      %masked_sort3A_36 = arith.constant dense<true> : vector<16xi1>
      %masked_sort3A_37, %masked_sort3A_38, %masked_sort3A_39 = tpu.sort %get3A_31, %add3A_35 masked %masked_sort3A_36 {descending = true} : (vector<16xf32>, vector<16xi32>, vector<16xi1>) -> (vector<16xi1>, vector<16xf32>, vector<16xi32>)
      %mul3A_40 = arith.constant 64 : i32
      %mul3A_41 = arith.muli %scan3A_14, %mul3A_40 : i32
      %add3A_42 = arith.constant 32 : i32
      %add3A_43 = arith.addi %mul3A_41, %add3A_42 : i32
      %get3A_44 = arith.index_cast %add3A_43 : i32 to index
      %get3A_45 = tpu.vector_load %arg5[%get3A_44] {strides = array<i32>} : memref<16384xf32, #tpu.memory_space<vmem>>, vector<16xf32>,
      %iota3A_46 = tpu.iota {dimensions = array<i32: 0>} : vector<16xi32>
      %add3A_47 = arith.constant 32 : i32
      %add3A_48 = vector.broadcast %add3A_47 : i32 to vector<16xi32>
      %add3A_49 = arith.addi %iota3A_46, %add3A_48 : vector<16xi32>
      %masked_sort3A_50 = arith.constant dense<true> : vector<16xi1>
      %masked_sort3A_51, %masked_sort3A_52, %masked_sort3A_53 = tpu.sort %get3A_45, %add3A_49 masked %masked_sort3A_50 {descending = true} : (vector<16xf32>, vector<16xi32>, vector<16xi1>) -> (vector<16xi1>, vector<16xf32>, vector<16xi32>)
      %mul3A_54 = arith.constant 64 : i32
      %mul3A_55 = arith.muli %scan3A_14, %mul3A_54 : i32
      %add3A_56 = arith.constant 48 : i32
      %add3A_57 = arith.addi %mul3A_55, %add3A_56 : i32
      %get3A_58 = arith.index_cast %add3A_57 : i32 to index
      %get3A_59 = tpu.vector_load %arg5[%get3A_58] {strides = array<i32>} : memref<16384xf32, #tpu.memory_space<vmem>>, vector<16xf32>,
      %iota3A_60 = tpu.iota {dimensions = array<i32: 0>} : vector<16xi32>
      %add3A_61 = arith.constant 48 : i32
      %add3A_62 = vector.broadcast %add3A_61 : i32 to vector<16xi32>
      %add3A_63 = arith.addi %iota3A_60, %add3A_62 : vector<16xi32>
      %masked_sort3A_64 = arith.constant dense<true> : vector<16xi1>
      %masked_sort3A_65, %masked_sort3A_66, %masked_sort3A_67 = tpu.sort %get3A_59, %add3A_63 masked %masked_sort3A_64 {descending = true} : (vector<16xf32>, vector<16xi32>, vector<16xi1>) -> (vector<16xi1>, vector<16xf32>, vector<16xi32>)
      %rev3A = arith.constant 15 : i32
      %rev3A_68 = vector.broadcast %rev3A : i32 to vector<16xi32>
      %rev3A_69 = tpu.iota {dimensions = array<i32: 0>} : vector<16xi32>
      %rev3A_70 = arith.subi %rev3A_68, %rev3A_69 : vector<16xi32>
      %rev3A_71 = tpu.dynamic_gather %masked_sort3A_38[%rev3A_70] in [0] : vector<16xf32>, vector<16xi32> -> vector<16xf32>
      %rev3A_72 = arith.constant 15 : i32
      %rev3A_73 = vector.broadcast %rev3A_72 : i32 to vector<16xi32>
      %rev3A_74 = tpu.iota {dimensions = array<i32: 0>} : vector<16xi32>
      %rev3A_75 = arith.subi %rev3A_73, %rev3A_74 : vector<16xi32>
      %rev3A_76 = tpu.dynamic_gather %masked_sort3A_39[%rev3A_75] in [0] : vector<16xi32>, vector<16xi32> -> vector<16xi32>
      %gt3A = arith.cmpf ogt, %masked_sort3A_24, %rev3A_71 : vector<16xf32>
      %eq3A = arith.cmpf oeq, %masked_sort3A_24, %rev3A_71 : vector<16xf32>
      %lt3A = arith.cmpi slt, %masked_sort3A_25, %rev3A_76 : vector<16xi32>
      %and3A = arith.andi %eq3A, %lt3A : vector<16xi1>
      %or3A = arith.ori %gt3A, %and3A : vector<16xi1>
      %select_n3A = arith.select %or3A, %masked_sort3A_24, %rev3A_71 : vector<16xi1>, vector<16xf32>
      %select_n3A_77 = arith.select %or3A, %masked_sort3A_25, %rev3A_76 : vector<16xi1>, vector<16xi32>
      %masked_sort3A_78 = arith.constant dense<true> : vector<16xi1>
      %masked_sort3A_79, %masked_sort3A_80, %masked_sort3A_81 = tpu.sort %select_n3A, %select_n3A_77 masked %masked_sort3A_78 {descending = true} : (vector<16xf32>, vector<16xi32>, vector<16xi1>) -> (vector<16xi1>, vector<16xf32>, vector<16xi32>)
      %rev3A_82 = arith.constant 15 : i32
      %rev3A_83 = vector.broadcast %rev3A_82 : i32 to vector<16xi32>
      %rev3A_84 = tpu.iota {dimensions = array<i32: 0>} : vector<16xi32>
      %rev3A_85 = arith.subi %rev3A_83, %rev3A_84 : vector<16xi32>
      %rev3A_86 = tpu.dynamic_gather %masked_sort3A_66[%rev3A_85] in [0] : vector<16xf32>, vector<16xi32> -> vector<16xf32>
      %rev3A_87 = arith.constant 15 : i32
      %rev3A_88 = vector.broadcast %rev3A_87 : i32 to vector<16xi32>
      %rev3A_89 = tpu.iota {dimensions = array<i32: 0>} : vector<16xi32>
      %rev3A_90 = arith.subi %rev3A_88, %rev3A_89 : vector<16xi32>
      %rev3A_91 = tpu.dynamic_gather %masked_sort3A_67[%rev3A_90] in [0] : vector<16xi32>, vector<16xi32> -> vector<16xi32>
      %gt3A_92 = arith.cmpf ogt, %masked_sort3A_52, %rev3A_86 : vector<16xf32>
      %eq3A_93 = arith.cmpf oeq, %masked_sort3A_52, %rev3A_86 : vector<16xf32>
      %lt3A_94 = arith.cmpi slt, %masked_sort3A_53, %rev3A_91 : vector<16xi32>
      %and3A_95 = arith.andi %eq3A_93, %lt3A_94 : vector<16xi1>
      %or3A_96 = arith.ori %gt3A_92, %and3A_95 : vector<16xi1>
      %select_n3A_97 = arith.select %or3A_96, %masked_sort3A_52, %rev3A_86 : vector<16xi1>, vector<16xf32>
      %select_n3A_98 = arith.select %or3A_96, %masked_sort3A_53, %rev3A_91 : vector<16xi1>, vector<16xi32>
      %masked_sort3A_99 = arith.constant dense<true> : vector<16xi1>
      %masked_sort3A_100, %masked_sort3A_101, %masked_sort3A_102 = tpu.sort %select_n3A_97, %select_n3A_98 masked %masked_sort3A_99 {descending = true} : (vector<16xf32>, vector<16xi32>, vector<16xi1>) -> (vector<16xi1>, vector<16xf32>, vector<16xi32>)
      %rev3A_103 = arith.constant 15 : i32
      %rev3A_104 = vector.broadcast %rev3A_103 : i32 to vector<16xi32>
      %rev3A_105 = tpu.iota {dimensions = array<i32: 0>} : vector<16xi32>
      %rev3A_106 = arith.subi %rev3A_104, %rev3A_105 : vector<16xi32>
      %rev3A_107 = tpu.dynamic_gather %masked_sort3A_101[%rev3A_106] in [0] : vector<16xf32>, vector<16xi32> -> vector<16xf32>
      %rev3A_108 = arith.constant 15 : i32
      %rev3A_109 = vector.broadcast %rev3A_108 : i32 to vector<16xi32>
      %rev3A_110 = tpu.iota {dimensions = array<i32: 0>} : vector<16xi32>
      %rev3A_111 = arith.subi %rev3A_109, %rev3A_110 : vector<16xi32>
      %rev3A_112 = tpu.dynamic_gather %masked_sort3A_102[%rev3A_111] in [0] : vector<16xi32>, vector<16xi32> -> vector<16xi32>
      %gt3A_113 = arith.cmpf ogt, %masked_sort3A_80, %rev3A_107 : vector<16xf32>
      %eq3A_114 = arith.cmpf oeq, %masked_sort3A_80, %rev3A_107 : vector<16xf32>
      %lt3A_115 = arith.cmpi slt, %masked_sort3A_81, %rev3A_112 : vector<16xi32>
      %and3A_116 = arith.andi %eq3A_114, %lt3A_115 : vector<16xi1>
      %or3A_117 = arith.ori %gt3A_113, %and3A_116 : vector<16xi1>
      %select_n3A_118 = arith.select %or3A_117, %masked_sort3A_80, %rev3A_107 : vector<16xi1>, vector<16xf32>
      %select_n3A_119 = arith.select %or3A_117, %masked_sort3A_81, %rev3A_112 : vector<16xi1>, vector<16xi32>
      %masked_sort3A_120 = arith.constant dense<true> : vector<16xi1>
      %masked_sort3A_121, %masked_sort3A_122, %masked_sort3A_123 = tpu.sort %select_n3A_118, %select_n3A_119 masked %masked_sort3A_120 {descending = true} : (vector<16xf32>, vector<16xi32>, vector<16xi1>) -> (vector<16xi1>, vector<16xf32>, vector<16xi32>)
      %mul3A_124 = arith.constant 16 : i32
      %mul3A_125 = arith.muli %scan3A_14, %mul3A_124 : i32
      %swap3A = arith.index_cast %mul3A_125 : i32 to index
      %swap3A_126 = tpu.vector_load %arg6[%swap3A] {strides = array<i32>} : memref<4096xf32, #tpu.memory_space<vmem>>, vector<16xf32>,
      tpu.vector_store %arg6[%swap3A], %masked_sort3A_122 {strides = array<i32>} : memref<4096xf32, #tpu.memory_space<vmem>>, vector<16xf32>,
      %mul3A_127 = arith.constant 16 : i32
      %mul3A_128 = arith.muli %scan3A_14, %mul3A_127 : i32
      %swap3A_129 = arith.index_cast %mul3A_128 : i32 to index
      %swap3A_130 = tpu.vector_load %arg7[%swap3A_129] {strides = array<i32>} : memref<4096xi32, #tpu.memory_space<vmem>>, vector<16xi32>,
      tpu.vector_store %arg7[%swap3A_129], %masked_sort3A_123 {strides = array<i32>} : memref<4096xi32, #tpu.memory_space<vmem>>, vector<16xi32>,
    }
    %scan3A_9 = arith.constant 256 : i32
    %mul3A_10 = arith.constant 16 : i32
    %mul3A_11 = arith.muli %mul3A_2, %mul3A_10 : i32
    "tpu.region"() ({
      %run_scoped3A = tpu.sem_alloc : memref<!tpu.dma_semaphore, #tpu.memory_space<semaphore_mem>>
      %dma_start3A = tpu.memref_slice %arg3[%mul3A_11] : memref<131072xf32, #tpu.memory_space<hbm>> -> memref<4096xf32, #tpu.memory_space<hbm>>
      %dma_start3A_14 = tpu.memref_slice %arg3[%mul3A_11] : memref<131072xf32, #tpu.memory_space<hbm>> -> memref<4096xf32, #tpu.memory_space<hbm>>
      tpu.enqueue_dma source(%arg6 : memref<4096xf32, #tpu.memory_space<vmem>>) target(%dma_start3A_14 : memref<4096xf32, #tpu.memory_space<hbm>>) target_semaphore(%run_scoped3A : memref<!tpu.dma_semaphore, #tpu.memory_space<semaphore_mem>>)
      %dma_wait3A = tpu.memref_slice %arg3[%mul3A_11] : memref<131072xf32, #tpu.memory_space<hbm>> -> memref<4096xf32, #tpu.memory_space<hbm>>
      %dma_wait3A_15 = tpu.memref_slice %arg3[%mul3A_11] : memref<131072xf32, #tpu.memory_space<hbm>> -> memref<4096xf32, #tpu.memory_space<hbm>>
      tpu.wait_dma2 semaphore(%run_scoped3A : memref<!tpu.dma_semaphore, #tpu.memory_space<semaphore_mem>>) src(%arg6 : memref<4096xf32, #tpu.memory_space<vmem>>) dst(%dma_wait3A_15 : memref<4096xf32, #tpu.memory_space<hbm>>)
      tpu.yield
    }) : () -> ()
    %mul3A_12 = arith.constant 16 : i32
    %mul3A_13 = arith.muli %mul3A_2, %mul3A_12 : i32
    "tpu.region"() ({
      %run_scoped3A = tpu.sem_alloc : memref<!tpu.dma_semaphore, #tpu.memory_space<semaphore_mem>>
      %dma_start3A = tpu.memref_slice %arg4[%mul3A_13] : memref<131072xi32, #tpu.memory_space<hbm>> -> memref<4096xi32, #tpu.memory_space<hbm>>
      %dma_start3A_14 = tpu.memref_slice %arg4[%mul3A_13] : memref<131072xi32, #tpu.memory_space<hbm>> -> memref<4096xi32, #tpu.memory_space<hbm>>
      tpu.enqueue_dma source(%arg7 : memref<4096xi32, #tpu.memory_space<vmem>>) target(%dma_start3A_14 : memref<4096xi32, #tpu.memory_space<hbm>>) target_semaphore(%run_scoped3A : memref<!tpu.dma_semaphore, #tpu.memory_space<semaphore_mem>>)
      %dma_wait3A = tpu.memref_slice %arg4[%mul3A_13] : memref<131072xi32, #tpu.memory_space<hbm>> -> memref<4096xi32, #tpu.memory_space<hbm>>
      %dma_wait3A_15 = tpu.memref_slice %arg4[%mul3A_13] : memref<131072xi32, #tpu.memory_space<hbm>> -> memref<4096xi32, #tpu.memory_space<hbm>>
      tpu.wait_dma2 semaphore(%run_scoped3A : memref<!tpu.dma_semaphore, #tpu.memory_space<semaphore_mem>>) src(%arg7 : memref<4096xi32, #tpu.memory_space<vmem>>) dst(%dma_wait3A_15 : memref<4096xi32, #tpu.memory_space<hbm>>)
      tpu.yield
    }) : () -> ()
    return
  }
}

module attributes {stable_mosaic.version = 14 : i64} {
  func.func @_proto_norm_block(%arg0: memref<2048x128xf32, #tpu.memory_space<vmem>>, %arg1: memref<2048x128xf32, #tpu.memory_space<vmem>>) attributes {dimension_semantics = [], scalar_prefetch = 0 : i64, scratch_operands = 0 : i64, tpu.core_type = #tpu.core_type<tc>} {
    %get3A = arith.constant 0 : index
    %get3A_0 = arith.constant 0 : index
    %get3A_1 = vector.load %arg0[%get3A, %get3A_0] : memref<2048x128xf32, #tpu.memory_space<vmem>>, vector<2048x128xf32>
    %mul3A = arith.mulf %get3A_1, %get3A_1 : vector<2048x128xf32>
    %reduce_sum3A = arith.constant dense<0.000000e+00> : vector<128xf32>
    %reduce_sum3A_2 = vector.multi_reduction <add>, %mul3A, %reduce_sum3A [0] : vector<2048x128xf32> to vector<128xf32>
    %broadcast_in_dim3A = vector.shape_cast %reduce_sum3A_2 : vector<128xf32> to vector<1x128xf32>
    %sqrt3A = math.sqrt %broadcast_in_dim3A : vector<1x128xf32>
    %max3A = arith.constant 9.99999996E-13 : f32
    %max3A_3 = vector.broadcast %max3A : f32 to vector<1x128xf32>
    %max3A_4 = arith.maximumf %sqrt3A, %max3A_3 : vector<1x128xf32>
    %div3A = vector.broadcast %max3A_4 : vector<1x128xf32> to vector<2048x128xf32>
    %div3A_5 = arith.divf %get3A_1, %div3A : vector<2048x128xf32>
    %swap3A = arith.constant 0 : index
    %swap3A_6 = arith.constant 0 : index
    %swap3A_7 = vector.load %arg1[%swap3A, %swap3A_6] : memref<2048x128xf32, #tpu.memory_space<vmem>>, vector<2048x128xf32>
    tpu.vector_store %arg1[%swap3A, %swap3A_6], %div3A_5 {strides = array<i32>} : memref<2048x128xf32, #tpu.memory_space<vmem>>, vector<2048x128xf32>,
    return
  }
}

module attributes {stable_mosaic.version = 14 : i64} {
  func.func @_probs_block(%arg0: i32, %arg1: memref<512x2048xf32, #tpu.memory_space<vmem>>, %arg2: memref<2048x128xf32, #tpu.memory_space<vmem>>, %arg3: memref<512x64xf32, #tpu.memory_space<vmem>>) attributes {dimension_semantics = [#tpu.dimension_semantics<parallel>], iteration_bounds = array<i64: 16>, scalar_prefetch = 0 : i64, scratch_operands = 0 : i64, tpu.core_type = #tpu.core_type<tc>, window_params = [{transform_indices = @transform_0, window_bounds = array<i64: 512, 2048>}, {pipeline_mode = #tpu.pipeline_mode<synchronous>, transform_indices = @transform_1, window_bounds = array<i64: 2048, 128>}, {transform_indices = @transform_2, window_bounds = array<i64: 512, 64>}]} {
    %get3A = arith.constant 0 : index
    %get3A_0 = arith.constant 0 : index
    %get3A_1 = vector.load %arg1[%get3A, %get3A_0] : memref<512x2048xf32, #tpu.memory_space<vmem>>, vector<512x2048xf32>
    %mul3A = arith.mulf %get3A_1, %get3A_1 : vector<512x2048xf32>
    %slice3A = vector.extract_strided_slice %mul3A {offsets = [0, 0], sizes = [512, 128], strides = [1, 1]} : vector<512x2048xf32> to vector<512x128xf32>
    %slice3A_2 = vector.extract_strided_slice %mul3A {offsets = [0, 128], sizes = [512, 128], strides = [1, 1]} : vector<512x2048xf32> to vector<512x128xf32>
    %slice3A_3 = vector.extract_strided_slice %mul3A {offsets = [0, 256], sizes = [512, 128], strides = [1, 1]} : vector<512x2048xf32> to vector<512x128xf32>
    %slice3A_4 = vector.extract_strided_slice %mul3A {offsets = [0, 384], sizes = [512, 128], strides = [1, 1]} : vector<512x2048xf32> to vector<512x128xf32>
    %slice3A_5 = vector.extract_strided_slice %mul3A {offsets = [0, 512], sizes = [512, 128], strides = [1, 1]} : vector<512x2048xf32> to vector<512x128xf32>
    %slice3A_6 = vector.extract_strided_slice %mul3A {offsets = [0, 640], sizes = [512, 128], strides = [1, 1]} : vector<512x2048xf32> to vector<512x128xf32>
    %slice3A_7 = vector.extract_strided_slice %mul3A {offsets = [0, 768], sizes = [512, 128], strides = [1, 1]} : vector<512x2048xf32> to vector<512x128xf32>
    %slice3A_8 = vector.extract_strided_slice %mul3A {offsets = [0, 896], sizes = [512, 128], strides = [1, 1]} : vector<512x2048xf32> to vector<512x128xf32>
    %slice3A_9 = vector.extract_strided_slice %mul3A {offsets = [0, 1024], sizes = [512, 128], strides = [1, 1]} : vector<512x2048xf32> to vector<512x128xf32>
    %slice3A_10 = vector.extract_strided_slice %mul3A {offsets = [0, 1152], sizes = [512, 128], strides = [1, 1]} : vector<512x2048xf32> to vector<512x128xf32>
    %slice3A_11 = vector.extract_strided_slice %mul3A {offsets = [0, 1280], sizes = [512, 128], strides = [1, 1]} : vector<512x2048xf32> to vector<512x128xf32>
    %slice3A_12 = vector.extract_strided_slice %mul3A {offsets = [0, 1408], sizes = [512, 128], strides = [1, 1]} : vector<512x2048xf32> to vector<512x128xf32>
    %slice3A_13 = vector.extract_strided_slice %mul3A {offsets = [0, 1536], sizes = [512, 128], strides = [1, 1]} : vector<512x2048xf32> to vector<512x128xf32>
    %slice3A_14 = vector.extract_strided_slice %mul3A {offsets = [0, 1664], sizes = [512, 128], strides = [1, 1]} : vector<512x2048xf32> to vector<512x128xf32>
    %slice3A_15 = vector.extract_strided_slice %mul3A {offsets = [0, 1792], sizes = [512, 128], strides = [1, 1]} : vector<512x2048xf32> to vector<512x128xf32>
    %slice3A_16 = vector.extract_strided_slice %mul3A {offsets = [0, 1920], sizes = [512, 128], strides = [1, 1]} : vector<512x2048xf32> to vector<512x128xf32>
    %add3A = arith.addf %slice3A, %slice3A_2 : vector<512x128xf32>
    %add3A_17 = arith.addf %slice3A_3, %slice3A_4 : vector<512x128xf32>
    %add3A_18 = arith.addf %slice3A_5, %slice3A_6 : vector<512x128xf32>
    %add3A_19 = arith.addf %slice3A_7, %slice3A_8 : vector<512x128xf32>
    %add3A_20 = arith.addf %slice3A_9, %slice3A_10 : vector<512x128xf32>
    %add3A_21 = arith.addf %slice3A_11, %slice3A_12 : vector<512x128xf32>
    %add3A_22 = arith.addf %slice3A_13, %slice3A_14 : vector<512x128xf32>
    %add3A_23 = arith.addf %slice3A_15, %slice3A_16 : vector<512x128xf32>
    %add3A_24 = arith.addf %add3A, %add3A_17 : vector<512x128xf32>
    %add3A_25 = arith.addf %add3A_18, %add3A_19 : vector<512x128xf32>
    %add3A_26 = arith.addf %add3A_20, %add3A_21 : vector<512x128xf32>
    %add3A_27 = arith.addf %add3A_22, %add3A_23 : vector<512x128xf32>
    %add3A_28 = arith.addf %add3A_24, %add3A_25 : vector<512x128xf32>
    %add3A_29 = arith.addf %add3A_26, %add3A_27 : vector<512x128xf32>
    %add3A_30 = arith.addf %add3A_28, %add3A_29 : vector<512x128xf32>
    %reduce_sum3A = arith.constant dense<0.000000e+00> : vector<512xf32>
    %reduce_sum3A_31 = vector.multi_reduction <add>, %add3A_30, %reduce_sum3A [1] : vector<512x128xf32> to vector<512xf32>
    %broadcast_in_dim3A = vector.shape_cast %reduce_sum3A_31 : vector<512xf32> to vector<512x1xf32>
    %sqrt3A = math.sqrt %broadcast_in_dim3A : vector<512x1xf32>
    %max3A = arith.constant 9.99999996E-13 : f32
    %max3A_32 = vector.broadcast %max3A : f32 to vector<512x1xf32>
    %max3A_33 = arith.maximumf %sqrt3A, %max3A_32 : vector<512x1xf32>
    %div3A = vector.broadcast %max3A_33 : vector<512x1xf32> to vector<512x2048xf32>
    %div3A_34 = arith.divf %get3A_1, %div3A : vector<512x2048xf32>
    %get3A_35 = arith.constant 0 : index
    %get3A_36 = arith.constant 0 : index
    %get3A_37 = vector.load %arg2[%get3A_35, %get3A_36] : memref<2048x128xf32, #tpu.memory_space<vmem>>, vector<2048x128xf32>
    %dot_general3A = arith.constant dense<0.000000e+00> : vector<512x128xf32>
    %dot_general3A_38 = tpu.matmul %div3A_34, %get3A_37, %dot_general3A {dimension_numbers = #tpu.dot_dimension_numbers<[1], [0], [0], [1], [0, 0, 1, 1], [], []>, transpose_lhs_hint = false} : vector<512x2048xf32>, vector<2048x128xf32>, vector<512x128xf32> -> vector<512x128xf32>
    %iota3A = tpu.iota {dimensions = array<i32: 1>} : vector<512x128xi32>
    %convert_element_type3A = arith.sitofp %iota3A : vector<512x128xi32> to vector<512x128xf32>
    %lt3A = arith.constant 6.400000e+01 : f32
    %lt3A_39 = vector.broadcast %lt3A : f32 to vector<512x128xf32>
    %lt3A_40 = arith.cmpf olt, %convert_element_type3A, %lt3A_39 : vector<512x128xf32>
    %jit3A = arith.constant 0xFF800000 : f32
    %broadcast_in_dim3A_41 = vector.broadcast %jit3A : f32 to vector<512x128xf32>
    %select_n3A = arith.select %lt3A_40, %dot_general3A_38, %broadcast_in_dim3A_41 : vector<512x128xi1>, vector<512x128xf32>
    %reduce_max3A = arith.constant dense<0xFF800000> : vector<512xf32>
    %reduce_max3A_42 = vector.multi_reduction <maximumf>, %select_n3A, %reduce_max3A [1] : vector<512x128xf32> to vector<512xf32>
    %broadcast_in_dim3A_43 = vector.shape_cast %reduce_max3A_42 : vector<512xf32> to vector<512x1xf32>
    %sub3A = vector.broadcast %broadcast_in_dim3A_43 : vector<512x1xf32> to vector<512x128xf32>
    %sub3A_44 = arith.subf %select_n3A, %sub3A : vector<512x128xf32>
    %exp3A = math.exp %sub3A_44 : vector<512x128xf32>
    %reduce_sum3A_45 = arith.constant dense<0.000000e+00> : vector<512xf32>
    %reduce_sum3A_46 = vector.multi_reduction <add>, %exp3A, %reduce_sum3A_45 [1] : vector<512x128xf32> to vector<512xf32>
    %broadcast_in_dim3A_47 = vector.shape_cast %reduce_sum3A_46 : vector<512xf32> to vector<512x1xf32>
    %div3A_48 = vector.broadcast %broadcast_in_dim3A_47 : vector<512x1xf32> to vector<512x128xf32>
    %div3A_49 = arith.divf %exp3A, %div3A_48 : vector<512x128xf32>
    %slice3A_50 = vector.extract_strided_slice %div3A_49 {offsets = [0, 0], sizes = [512, 64], strides = [1, 1]} : vector<512x128xf32> to vector<512x64xf32>
    %swap3A = arith.constant 0 : index
    %swap3A_51 = arith.constant 0 : index
    %swap3A_52 = vector.load %arg3[%swap3A, %swap3A_51] : memref<512x64xf32, #tpu.memory_space<vmem>>, vector<512x64xf32>
    tpu.vector_store %arg3[%swap3A, %swap3A_51], %slice3A_50 {strides = array<i32>} : memref<512x64xf32, #tpu.memory_space<vmem>>, vector<512x64xf32>,
    return
  }
  func.func @transform_0(%arg0: i32) -> (i32, i32) {
    %c0_i32 = arith.constant 0 : i32
    %c0_i32_0 = arith.constant 0 : i32
    return %arg0, %c0_i32 : i32, i32
  }
  func.func @transform_1(%arg0: i32) -> (i32, i32) {
    %c0_i32 = arith.constant 0 : i32
    %c0_i32_0 = arith.constant 0 : i32
    %c0_i32_1 = arith.constant 0 : i32
    return %c0_i32, %c0_i32_0 : i32, i32
  }
  func.func @transform_2(%arg0: i32) -> (i32, i32) {
    %c0_i32 = arith.constant 0 : i32
    %c0_i32_0 = arith.constant 0 : i32
    return %arg0, %c0_i32 : i32, i32
  }
}

</mosaic_0001>

<sc_bundles>
// kernel: kernel.10.cloned.1.call-start
scs
__scs_entry_jumppad:
0x0: {  	(pc) =	sbr.rel $0x88, $3  }
0x1: {  	(tag) =	ssettag $0x0;
	lr =	simm.s32 $0x1  }
0x2: {  	[smem:$0x3F9F] =	sst lr;
	_ =	strace $0xD0000000  }
0x3: {  	_ = 	snop  }
0x4: {  	_ = 	snop  }
0x5: {  	_ = 	snop  }
0x6: {  	_ = 	snop  }
0x7: {  	_ = 	snop  }
__scs_overlays_trampoline_lowered:
0x8: {  	[smem:$0x3FAE] =	sst s0  }
0x9: {  	[smem:$0x3FAF] =	sst s1  }
0xa: {  	[smem:$0x3FB0] =	sst s2  }
0xb: {  	[smem:$0x3FB1] =	sst s3  }
0xc: {  	[smem:$0x3FB2] =	sst s4  }
0xd: {  	[smem:$0x3FB3] =	sst s5  }
0xe: {  	[smem:$0x3FB4] =	sst s6  }
0xf: {  	[smem:$0x3FB5] =	sst s7  }
0x10: {  	[smem:$0x3FB6] =	sst s8  }
0x11: {  	[smem:$0x3FB7] =	sst s9;
	s0 =	simm.s32 @!p0 $0x0  }
0x12: {  	s1 =	sld [smem:$0x3F9D];
	s0 =	simm.s32 @p0 $0x1  }
0x13: {  	[smem:$0x3FB8] =	sst s0;
	s0 =	simm.s32 @!p1 $0x0  }
0x14: {  	s2 =	sld [smem:$0x3F9C];
	s0 =	simm.s32 @p1 $0x1  }
0x15: {  	[smem:$0x3FB9] =	sst s0;
	s0 =	simm.s32 @!p2 $0x0  }
0x16: {  	s3 =	sld [smem:$0x3FDB];
	s0 =	simm.s32 @p2 $0x1  }
0x17: {  	s4 =	simm.s32 $0x1BF5;
	[smem:$0x3FBB] =	sst s0  }
0x18: {  	s0 =	sld [smem:$0x3F9E];
	_ =	swait.ge [sflag:s4], $0x0  }
0x19: {  	s7 =	sld [smem:$0x3F9F]  }
0x1a: {  	s8 =	sadd.s32 $0xFFFFE003, lr  }
0x1b: {  	s9 =	sadd.s32 $0xFFFFFEF7, lr;
	s5 =	simm.s32 $0xFFFFFFFF;
	p2 =	slt.u32 s8, $0xFFFFF086  }
0x1c: {  	p1 =	slt.u32 s9, $0xF7A;
	s5 =	simm.s32 @!p2 $0x0  }
0x1d: {  	s5 =	simm.s32 @p1 $0x1;
	p0 =	seq.s32 s7, s2  }
0x1e: {  	s7 =	smul.u32 @!p0 $0xF7A, s2;
	p2 =	seq.s32 @!p0 s5, $0x0  }
0x1f: {  	s9 =	smul.u32 $0xF7A, s1;
	s8 =	simm.s32 @!p0 $0x1BF5;
	p2 =	por !p2, p0  }
0x20: {  	[sflag:s8] =	ssyncset.s32 @!p0 $0xFFFFF086;
	s6 =	sadd.s32 @!p0 s3, s7;
	s7 =	simm.s32 @!p0 $0x108  }
0x21: {  	s3 =	sadd.s32 s3, s9;
	s6 =	sadd.s32 @!p0 $0x88, s6;
	s7 =	simm.s32 @p2 $0x1082  }
0x22: {  	[simem:s7], [sflag:s8] =	dma.local @!p0 [hbm:s6], $0xF7A  }
0x23: {  	s9 =	sor.u32 $0xD0000000, s2;
	s6 =	simm.s32 $0x108;
	_ =	swait.ge @!p0 [sflag:s8], $0x0  }
0x24: {  	s3 =	sadd.s32 $0x88, s3;
	s6 =	simm.s32 @!p1 $0x1082;
	[sflag:s4] =	ssyncset.s32 $0xFFFFF086  }
0x25: {  	[simem:s6], [sflag:s4] =	dma.local [hbm:s3], $0xF7A  }
0x26: {  	[smem:$0x3F9F] =	sst s1;
	(tag) =	ssettag s2;
	_ =	strace s9  }
0x27: {  	s1 =	sld [smem:$0x3FAF]  }
0x28: {  	s2 =	sld [smem:$0x3FB0]  }
0x29: {  	s4 =	sld [smem:$0x3FB2]  }
0x2a: {  	p0 =	seq.s32 s5, $0x0;
	s5 =	sld [smem:$0x3FB3]  }
0x2b: {  	s6 =	sld [smem:$0x3FB4]  }
0x2c: {  	s7 =	sld [smem:$0x3FB5]  }
0x2d: {  	s3 =	simm.s32 $0x108;
	s8 =	sld [smem:$0x3FB6]  }
0x2e: {  	s3 =	simm.s32 @!p0 $0x1082;
	s9 =	sld [smem:$0x3FB7]  }
0x2f: {  	lr =	sadd.s32 s0, s3;
	s0 =	sld [smem:$0x3FAE]  }
0x30: {  	s3 =	sld [smem:$0x3FB1]  }
0x31: {  	[smem:$0x3FBA] =	sst s10  }
0x32: {  	s10 =	sld [smem:$0x3FB8];
	_ =	sdelay $0x3  }
0x33: {  	p0 =	seq.s32 s10, $0x1;
	s10 =	sld [smem:$0x3FBA];
	_ =	sdelay $0x3  }
0x34: {  	[smem:$0x3FBA] =	sst s10  }
0x35: {  	s10 =	sld [smem:$0x3FB9];
	_ =	sdelay $0x3  }
0x36: {  	p1 =	seq.s32 s10, $0x1;
	s10 =	sld [smem:$0x3FBA];
	_ =	sdelay $0x3  }
0x37: {  	[smem:$0x3FBA] =	sst s10  }
0x38: {  	s10 =	sld [smem:$0x3FBB]  }
0x39: {  	_ = 	snop;
	(pc) =	sbr.ind lr, $3  }
0x3a: {  	_ = 	snop  }
0x3b: {  	_ = 	snop  }
0x3c: {  	p2 =	seq.s32 s10, $0x1;
	s10 =	sld [smem:$0x3FBA]  }
0x3d: {  	_ =	shalt  }
0x3e: {  	_ =	shalt  }
0x3f: {  	_ =	shalt  }
0x40: {  	_ =	shalt  }
0x41: {  	_ =	shalt  }
0x42: {  	_ =	shalt  }
0x43: {  	_ =	shalt  }
0x44: {  	_ =	shalt  }
0x45: {  	_ =	shalt  }
0x46: {  	_ =	shalt  }
0x47: {  	_ =	shalt  }
0x48: {  	_ =	shalt  }
0x49: {  	_ =	shalt  }
0x4a: {  	_ =	shalt  }
0x4b: {  	_ =	shalt  }
0x4c: {  	_ =	shalt  }
0x4d: {  	_ =	shalt  }
0x4e: {  	_ =	shalt  }
0x4f: {  	_ =	shalt  }
0x50: {  	_ =	shalt  }
0x51: {  	_ =	shalt  }
0x52: {  	_ =	shalt  }
0x53: {  	_ =	shalt  }
0x54: {  	_ =	shalt  }
0x55: {  	_ =	shalt  }
0x56: {  	_ =	shalt  }
0x57: {  	_ =	shalt  }
0x58: {  	_ =	shalt  }
0x59: {  	_ =	shalt  }
0x5a: {  	_ =	shalt  }
0x5b: {  	_ =	shalt  }
0x5c: {  	_ =	shalt  }
0x5d: {  	_ =	shalt  }
0x5e: {  	_ =	shalt  }
0x5f: {  	_ =	shalt  }
0x60: {  	_ =	shalt  }
0x61: {  	_ =	shalt  }
0x62: {  	_ =	shalt  }
0x63: {  	_ =	shalt  }
0x64: {  	_ =	shalt  }
0x65: {  	_ =	shalt  }
0x66: {  	_ =	shalt  }
0x67: {  	_ =	shalt  }
0x68: {  	_ =	shalt  }
0x69: {  	_ =	shalt  }
0x6a: {  	_ =	shalt  }
0x6b: {  	_ =	shalt  }
0x6c: {  	_ =	shalt  }
0x6d: {  	_ =	shalt  }
0x6e: {  	_ =	shalt  }
0x6f: {  	_ =	shalt  }
0x70: {  	_ =	shalt  }
0x71: {  	_ =	shalt  }
0x72: {  	_ =	shalt  }
0x73: {  	_ =	shalt  }
0x74: {  	_ =	shalt  }
0x75: {  	_ =	shalt  }
0x76: {  	_ =	shalt  }
0x77: {  	_ =	shalt  }
0x78: {  	_ =	shalt  }
0x79: {  	_ =	shalt  }
0x7a: {  	_ =	shalt  }
0x7b: {  	_ =	shalt  }
0x7c: {  	_ =	shalt  }
0x7d: {  	_ =	shalt  }
0x7e: {  	_ =	shalt  }
0x7f: {  	_ =	shalt  }
0x80: {  	_ =	shalt  }
0x81: {  	_ =	shalt  }
0x82: {  	_ =	shalt  }
0x83: {  	_ =	shalt  }
0x84: {  	_ =	shalt  }
0x85: {  	_ =	shalt  }
0x86: {  	_ =	shalt  }
0x87: {  	_ =	shalt  }
.Lfunc_end0:
.L_simem_size_0:
called_computation.1_lowered:
.L_overlay_start_0:
0x88: {  	s2 =	sld [smem:$0x3FD9]  }
0x89: {  	s3 =	sld [smem:$0x3FFE];
	_ =	sdelay $0x1  }
0x8a: {  	s1 =	srdreg.scid  }
0x8b: {  	s0 =	sand.u32 $0x1, s1  }
0x8c: {  	s16 =	sshll.u32 s0, $0xA;
	s2 =	sadd.s32 s3, s2  }
0x8d: {  	s2 =	sadd.s32 s2, s16  }
0x8e: {  	[smem:$0x3FC6] =	sst s2  }
0x8f: {  	_ = 	snop  }
0x90: {  	(tm) =	ssettm $0x1  }
0x91: {  	s17 =	sld [smem:$0x3FFB];
	_ =	sdelay $0x3  }
0x92: {  	_ =	strace s17  }
0x93: {  	s2 =	sld [smem:$0x3FFC];
	_ =	sdelay $0x3  }
0x94: {  	_ =	strace s2  }
0x95: {  	s2 =	sld [smem:$0x3FFD];
	_ =	sdelay $0x3  }
0x96: {  	_ =	strace s2  }
0x97: {  	_ =	strace $0x8FFFFFFF  }
0x98: {  	s18 =	sld [smem:$0x3FDB];
	_ =	sdelay $0x1  }
0x99: {  	s19 =	simm.s32 $_scs_section_size  }
0x9a: {  	s4 =	simm.s32 $_size__tile_overlayer_lowered;
	s5 =	simm.s32 $_tile_overlayer_lowered  }
0x9b: {  	s22 =	simm.s32 $0x1BFF;
	s21 =	sshll.u32 s5, $0x1;
	s2 =	sadd.s32 s19, s18  }
0x9c: {  	s6 =	simm.s32 $0x0;
	s20 =	sshll.u32 s4, $0x1;
	s4 =	sadd.s32 s21, s2  }
0x9d: {  	[timem:s6], [sflag:s22] =	dma.local [hbm:s4], s20  }
0x9e: {  	_ =	swait.ge [sflag:s22], s20  }
0x9f: {  	s3 =	ssub.s32 $0x0, s20;
	[sflag:s22] =	ssyncset.done $0x0  }
0xa0: {  	[sflag:s22] =	ssyncadd.s32 s3;
	_ =	sdelay $0x1  }
0xa1: {  	s23 =	simm.s32 $0x1B8B  }
0xa2: {  	_ =	swait.ge [sflag:s23], $0x1  }
0xa3: {  	[sflag:s23] =	ssyncset.done $0x0  }
0xa4: {  	s25 =	simm.s32 $0x1B8E;
	s24 =	sld [smem:$0x3FFE];
	[sflag:s23] =	ssyncadd.s32 $0xFFFFFFFF  }
0xa5: {  	s26 =	simm.s32 $execute0_lowered;
	[smem:$0x3FD2] =	sst s25  }
0xa6: {  	s4 =	sshll.u32 s26, $0x1;
	_ =	strace $0x80000046;
	[dreg:$0x1] =	wrdreg $0xFFFFFFFF  }
0xa7: {  	s28 =	simm.s32 $_size_execute0_lowered;
	s2 =	sadd.s32 s2, s4;
	[dreg:$0x0] =	wrdreg $0x0  }
0xa8: {  	s4 =	sshll.u32 s28, $0x1;
	[dreg:$0x2] =	wrdreg s2  }
0xa9: {  	[dreg:$0x3] =	wrdreg s4  }
0xaa: {  	[dreg:$0x4] =	wrdreg $0xC0  }
0xab: {  	_ =	task [dreg:s6], $0x5FFFF  }
0xac: {  	[dreg:$0x1] =	wrdreg $0xFFFFFFFF  }
0xad: {  	[dreg:$0x0] =	wrdreg $0x60  }
0xae: {  	[dreg:$0x2] =	wrdreg s24  }
0xaf: {  	[dreg:$0x3] =	wrdreg $0xA  }
0xb0: {  	_ =	task.clear_ibuf [dreg:s6], $0x4FFFF;
	_ =	strace $0x90000046  }
0xb1: {  	s29 =	simm.s32 $0xA;
	_ =	strace $0x80000048  }
0xb2: {  	_ =	swait.ge [sflag:s29], $0x1  }
0xb3: {  	[sflag:s29] =	ssyncadd.s32 $0xFFFFFFFF  }
0xb4: {  	_ =	strace $0x90000048  }
0xb5: {  	_ =	sfence  }
0xb6: {  	s30 =	sld [smem:$0x0];
	_ =	sdelay $0x2  }
0xb7: {  	s31 =	sshll.u32 s1, $0xD;
	s1 =	sshrl.u32 s1, $0x2  }
0xb8: {  	s3 =	sand.u32 $0x4000, s31;
	s1 =	sadd.s32 s1, s30  }
0xb9: {  	s0 =	sor.u32 s3, s0;
	s1 =	sshll.u32 s1, $0x11  }
0xba: {  	s0 =	sor.u32 s1, s0  }
0xbb: {  	s0 =	sadd.s32 $0x8F2B, s0  }
0xbc: {  	[sflag:s0] =	ssyncadd.remote.s32 $0x1  }
0xbd: {  	_ =	sfence.sel $0xFFFF  }
0xbe: {  	[dreg:$0x0] =	wrdreg $0xFFFFFFFF;
	(pc) =	sbr.abs _section_cstart, $3  }
0xbf: {  	[dreg:$0x1] =	wrdreg $0xFFFFFFFF  }
0xc0: {  	_ =	task.clear_ibuf [dreg:s6], $0x2FFFF;
	_ =	strace $0x9FFFFFFF  }
0xc1: {  	(tm) =	ssettm $0x7FFFFFFF  }
tec
execute0_lowered:
.L_overlay_start_1:
0x0: {  	(tag) =	ssettag $0x1  }
0x1: {  	s3 =	rddreg [dreg:$0x0]  }
0x2: {  	s0 =	rddreg [dreg:$0x1];
	s2 =	simm.s32 $0x0;
	s4 =	srdreg.scid  }
0x3: {  	s1 =	stileid.u32;
	s8 =	simm.s32 $0x4000;
	s9 =	simm.s32 $0x5000  }
0x4: {  	[smem:$0x7FF] =	sst s2;
	s4 =	sand.u32 $0x1, s4;
	s5 =	sshll.u32 s1, $0x1  }
0x5: {  	s10 =	simm.s32 $0x0;
	_ =	strace $0x80000047;
	s5 =	sor.u32 s4, s5  }
0x6: {  	v0 =	vlaneseq.u32;
	s4 =	ssub.s32 $0x2, s4;
	s6 =	sshll.u32 s5, $0xB;
	s5 =	sshll.u32 s5, $0x9  }
0x7: {  	v4 =	vmul.u32 $0xFFFFFFFF, v0;
	s31 =	sshrl.u32 s4, $0x1;
	s6 =	sadd.s32 s6, s3;
	s5 =	sadd.s32 s5, s3  }
0x8: {  	v1 =	vor.u32 $0x10, v0;
	s7 =	ssub.s32 s4, s31;
	s3 =	sadd.s32 $0x1600, s6;
	s4 =	sadd.s32 $0x11600, s5  }
0x9: {  	v2 =	vor.u32 $0x20, v0;
	v3 =	vor.u32 $0x30, v0;
	v4 =	vadd.s32 $0xF, v4;
	s5 =	sadd.s32 $0x15600, s5;
	s6 =	smax.u32 s7, $0x1;
	s7 =	simm.s32 $0x1  }
.LBB2_1:
0xa: {  	[tilespmem:s2], [sflag:$0x1] =	stream.linear.gather [hbm4b:s3+s2], $0x4000, $0x38;
	[tilespmem:$0x6000] =	vst v63  }
0xb: {  	_ =	swait.ge [sflag:s7], $0x4000  }
0xc: {  	[sflag:s7] =	ssyncset.done $0x0  }
0xd: {  	s12 =	simm.s32 $0x20;
	[sflag:s7] =	ssyncadd.s32 $0xFFFFC000  }
0xe: {  	s13 =	simm.s32 $0x40;
	s11 =	simm.s32 $0x0;
	v5 =	vld [tilespmem:s12+$0x10]  }
.LBB2_2:
0xf: {  	p0 =	sne.s32 s13, $0x3FC0;
	v6 =	vld [tilespmem:s12+$0xFFFFFFF0]  }
0x10: {  	v7 =	vld [tilespmem:s12+$0x0]  }
0x11: {  	v8 =	vld [tilespmem:s12+$0xFFFFFFE0];
	_ =	sdelay $0x1  }
0x12: {  	(xrf1) =	vsort.dscd.msk.f32 $0xffff, v5, v3  }
0x13: {  	(xrf1) =	vsort.dscd.msk.f32 $0xffff, v6, v1  }
0x14: {  	(xrf1) =	vsort.dscd.msk.f32 $0xffff, v7, v2  }
0x15: {  	(xrf1) =	vsort.dscd.msk.f32 $0xffff, v8, v0;
	_ =	sdelay $0xa  }
0x16: {  	v5, v6, _ =	vpop (xrf1)  }
0x17: {  	v5 =	vperm.xlane v5, v4;
	v6 =	vperm.xlane v6, v4;
	v7, v8, _ =	vpop (xrf1)  }
0x18: {  	v7 =	vperm.xlane v7, v4;
	v9, v10, _ =	vpop (xrf1)  }
0x19: {  	v8 =	vperm.xlane v8, v4;
	vm0 =	veq.f32 v9, v5;
	vm1 =	vlt.s32 v10, v6;
	v11, v12, _ =	vpop (xrf1)  }
0x1a: {  	vm3 =	vgt.f32 v9, v5;
	vm2 =	vgt.f32 v11, v7;
	vm0 =	vmand vm0, vm1  }
0x1b: {  	vm1 =	veq.f32 v11, v7;
	vm4 =	vlt.s32 v12, v8;
	vm0 =	vmor vm3, vm0  }
0x1c: {  	vm1 =	vmand vm1, vm4;
	v5 =	vsel vm0, v9, v5;
	v6 =	vsel vm0, v10, v6  }
0x1d: {  	vm0 =	vmor vm2, vm1;
	(xrf1) =	vsort.dscd.msk.f32 $0xffff, v5, v6  }
0x1e: {  	v5 =	vsel vm0, v11, v7;
	v6 =	vsel vm0, v12, v8  }
0x1f: {  	(xrf1) =	vsort.dscd.msk.f32 $0xffff, v5, v6;
	_ =	sdelay $0xb  }
0x20: {  	v5, v6, _ =	vpop (xrf1)  }
0x21: {  	v5 =	vperm.xlane v5, v4;
	v6 =	vperm.xlane v6, v4  }
0x22: {  	v7, v8, _ =	vpop (xrf1)  }
0x23: {  	vm0 =	veq.f32 v7, v5;
	vm1 =	vlt.s32 v8, v6  }
0x24: {  	vm2 =	vgt.f32 v7, v5;
	vm0 =	vmand vm0, vm1  }
0x25: {  	vm0 =	vmor vm2, vm0  }
0x26: {  	v5 =	vsel vm0, v7, v5;
	v6 =	vsel vm0, v8, v6  }
0x27: {  	(xrf1) =	vsort.dscd.msk.f32 $0xffff, v5, v6;
	_ =	sdelay $0xc  }
.Ltmp0:
0x28: {  	(pc) =	sbr.rel @p0 .LBB2_2-.Ltmp0, $4  }
0x29: {  	s14 =	sshra.s32 s11, $0x2;
	s11 =	smov.u32 s13;
	v5, v6, _ =	vpop (xrf1)  }
0x2a: {  	[tilespmem:s14+$0x5000] =	vst v6  }
0x2b: {  	s12 =	sadd.s32 $0x40, s12;
	[tilespmem:s14+$0x4000] =	vst v5  }
0x2c: {  	s13 =	sadd.s32 $0x40, s13;
	v5 =	vld [tilespmem:s12+$0x10]  }
0x2d: {  	v6 =	vld [tilespmem:s12+$0xFFFFFFF0]  }
0x2e: {  	v7 =	vld [tilespmem:s12+$0x0]  }
0x2f: {  	v8 =	vld [tilespmem:s12+$0xFFFFFFE0];
	_ =	sdelay $0x1  }
0x30: {  	(xrf1) =	vsort.dscd.msk.f32 $0xffff, v5, v3  }
0x31: {  	(xrf1) =	vsort.dscd.msk.f32 $0xffff, v6, v1  }
0x32: {  	(xrf1) =	vsort.dscd.msk.f32 $0xffff, v7, v2  }
0x33: {  	(xrf1) =	vsort.dscd.msk.f32 $0xffff, v8, v0;
	_ =	sdelay $0xa  }
0x34: {  	v5, v6, _ =	vpop (xrf1)  }
0x35: {  	v5 =	vperm.xlane v5, v4;
	v6 =	vperm.xlane v6, v4;
	v7, v62, _ =	vpop (xrf1)  }
0x36: {  	v7 =	vperm.xlane v7, v4;
	v9, v10, _ =	vpop (xrf1)  }
0x37: {  	v8 =	vperm.xlane v62, v4;
	vm0 =	veq.f32 v9, v5;
	vm1 =	vlt.s32 v10, v6;
	v11, v12, _ =	vpop (xrf1)  }
0x38: {  	vm3 =	vgt.f32 v9, v5;
	vm2 =	vgt.f32 v11, v7;
	vm0 =	vmand vm0, vm1  }
0x39: {  	vm11 =	veq.f32 v11, v7;
	vm4 =	vlt.s32 v12, v8;
	vm0 =	vmor vm3, vm0  }
0x3a: {  	vm1 =	vmand vm11, vm4;
	v5 =	vsel vm0, v9, v5;
	v6 =	vsel vm0, v10, v6  }
0x3b: {  	vm12 =	vmor vm2, vm1;
	(xrf1) =	vsort.dscd.msk.f32 $0xffff, v5, v6  }
0x3c: {  	v5 =	vsel vm12, v11, v7;
	v6 =	vsel vm12, v12, v8  }
0x3d: {  	(xrf1) =	vsort.dscd.msk.f32 $0xffff, v5, v6;
	_ =	sdelay $0xb  }
0x3e: {  	v5, v6, _ =	vpop (xrf1)  }
0x3f: {  	v5 =	vperm.xlane v5, v4;
	v6 =	vperm.xlane v6, v4  }
0x40: {  	v7, v63, _ =	vpop (xrf1)  }
0x41: {  	vm13 =	veq.f32 v7, v5;
	vm14 =	vlt.s32 v63, v6  }
0x42: {  	vm15 =	vgt.f32 v7, v5;
	vm0 =	vmand vm13, vm14  }
0x43: {  	vm0 =	vmor vm15, vm0  }
0x44: {  	v5 =	vsel vm0, v7, v5;
	v6 =	vsel vm0, v63, v6  }
0x45: {  	(xrf1) =	vsort.dscd.msk.f32 $0xffff, v5, v6;
	_ =	sdelay $0xd  }
0x46: {  	s11 =	sshra.s32 s11, $0x2;
	v5, v6, _ =	vpop (xrf1)  }
0x47: {  	[tilespmem:s11+$0x5000] =	vst v6  }
0x48: {  	[tilespmem:s11+$0x4000] =	vst v5  }
0x49: {  	[hbm4b:s4+s2] =	stream.linear.scatter [tilespmem:s8], [sflag:$0x1], $0x1000, $0x38;
	[tilespmem:$0x6000] =	vst v63  }
0x4a: {  	s10 =	sadd.s32 $0x1, s10;
	_ =	swait.ge [sflag:s7], $0x1000  }
0x4b: {  	p0 =	sne.s32 s10, s6;
	[sflag:s7] =	ssyncset.done $0x0  }
.Ltmp1:
0x4c: {  	[sflag:s7] =	ssyncadd.s32 $0xFFFFF000;
	(pc) =	sbr.rel @p0 .LBB2_1-.Ltmp1, $4  }
0x4d: {  	[hbm4b:s5+s2] =	stream.linear.scatter [tilespmem:s9], [sflag:$0x1], $0x1000, $0x38;
	[tilespmem:$0x6000] =	vst v63  }
0x4e: {  	_ =	swait.ge [sflag:s7], $0x1000  }
0x4f: {  	[sflag:s7] =	ssyncset.done $0x0  }
0x50: {  	[sflag:s7] =	ssyncadd.s32 $0xFFFFF000  }
0x51: {  	_ =	sfence.sel $0x180000  }
0x52: {  	[bflag:$0x0] =	sbarrier.arrive $0xFFFF  }
0x53: {  	p0 =	sne.s32 s1, $0x0;
	_ =	strace $0x90000047  }
0x54: {  	s0 =	sadd.s32 @!p0 $0x100000, s0;
	[bflag:$0x2] =	sbarrier.arrive $0xFFFF  }
0x55: {  	[sflag:s0] =	ssyncadd.tile.s32 @!p0 $0x1;
	_ =	shalt  }
.Lfunc_end2:
_tile_overlayer_lowered:
.L_overlay_start_2:
0x56: {  	(tag) =	ssettag $0x2  }
0x57: {  	s0 =	rddreg [dreg:$0x0];
	s2 =	stileid.u32  }
0x58: {  	s1 =	rddreg [dreg:$0x1];
	p0 =	sne.s32 s2, $0x0  }
0x59: {  	s3 =	rddreg [dreg:$0x2];
	[bflag:$0x3] =	sbarrier.arrive $0xFFFF;
	s2 =	simm.s32 @!p0 $0x1C01  }
0x5a: {  	[timem:s3], [sflag:s2] =	dma.local @!p0 [hbm:s0], s1  }
0x5b: {  	s0 =	simm.s32 @!p0 $0x1  }
0x5c: {  	_ =	swait.ge @!p0 [sflag:s0], s1  }
0x5d: {  	s1 =	ssub.s32 @!p0 $0x0, s1;
	[sflag:s0] =	ssyncset.done @!p0 $0x0  }
0x5e: {  	[sflag:s0] =	ssyncadd.s32 @!p0 s1  }
0x5f: {  	[bflag:$0x3] =	sbarrier.arrive $0xFFFF  }
0x60: {  	_ =	shalt  }

// kernel: kernel.7.cloned.1.call-start
scs
__scs_entry_jumppad:
0x0: {  	(pc) =	sbr.rel $0x88, $3  }
0x1: {  	(tag) =	ssettag $0x0;
	lr =	simm.s32 $0x1  }
0x2: {  	[smem:$0x3F9F] =	sst lr;
	_ =	strace $0xD0000000  }
0x3: {  	_ = 	snop  }
0x4: {  	_ = 	snop  }
0x5: {  	_ = 	snop  }
0x6: {  	_ = 	snop  }
0x7: {  	_ = 	snop  }
__scs_overlays_trampoline_lowered:
0x8: {  	[smem:$0x3FAE] =	sst s0  }
0x9: {  	[smem:$0x3FAF] =	sst s1  }
0xa: {  	[smem:$0x3FB0] =	sst s2  }
0xb: {  	[smem:$0x3FB1] =	sst s3  }
0xc: {  	[smem:$0x3FB2] =	sst s4  }
0xd: {  	[smem:$0x3FB3] =	sst s5  }
0xe: {  	[smem:$0x3FB4] =	sst s6  }
0xf: {  	[smem:$0x3FB5] =	sst s7  }
0x10: {  	[smem:$0x3FB6] =	sst s8  }
0x11: {  	[smem:$0x3FB7] =	sst s9;
	s0 =	simm.s32 @!p0 $0x0  }
0x12: {  	s1 =	sld [smem:$0x3F9D];
	s0 =	simm.s32 @p0 $0x1  }
0x13: {  	[smem:$0x3FB8] =	sst s0;
	s0 =	simm.s32 @!p1 $0x0  }
0x14: {  	s2 =	sld [smem:$0x3F9C];
	s0 =	simm.s32 @p1 $0x1  }
0x15: {  	[smem:$0x3FB9] =	sst s0;
	s0 =	simm.s32 @!p2 $0x0  }
0x16: {  	s3 =	sld [smem:$0x3FDB];
	s0 =	simm.s32 @p2 $0x1  }
0x17: {  	s4 =	simm.s32 $0x1BF5;
	[smem:$0x3FBB] =	sst s0  }
0x18: {  	s0 =	sld [smem:$0x3F9E];
	_ =	swait.ge [sflag:s4], $0x0  }
0x19: {  	s7 =	sld [smem:$0x3F9F]  }
0x1a: {  	s8 =	sadd.s32 $0xFFFFE003, lr  }
0x1b: {  	s9 =	sadd.s32 $0xFFFFFEF7, lr;
	s5 =	simm.s32 $0xFFFFFFFF;
	p2 =	slt.u32 s8, $0xFFFFF086  }
0x1c: {  	p1 =	slt.u32 s9, $0xF7A;
	s5 =	simm.s32 @!p2 $0x0  }
0x1d: {  	s5 =	simm.s32 @p1 $0x1;
	p0 =	seq.s32 s7, s2  }
0x1e: {  	s7 =	smul.u32 @!p0 $0xF7A, s2;
	p2 =	seq.s32 @!p0 s5, $0x0  }
0x1f: {  	s9 =	smul.u32 $0xF7A, s1;
	s8 =	simm.s32 @!p0 $0x1BF5;
	p2 =	por !p2, p0  }
0x20: {  	[sflag:s8] =	ssyncset.s32 @!p0 $0xFFFFF086;
	s6 =	sadd.s32 @!p0 s3, s7;
	s7 =	simm.s32 @!p0 $0x108  }
0x21: {  	s3 =	sadd.s32 s3, s9;
	s6 =	sadd.s32 @!p0 $0x88, s6;
	s7 =	simm.s32 @p2 $0x1082  }
0x22: {  	[simem:s7], [sflag:s8] =	dma.local @!p0 [hbm:s6], $0xF7A  }
0x23: {  	s9 =	sor.u32 $0xD0000000, s2;
	s6 =	simm.s32 $0x108;
	_ =	swait.ge @!p0 [sflag:s8], $0x0  }
0x24: {  	s3 =	sadd.s32 $0x88, s3;
	s6 =	simm.s32 @!p1 $0x1082;
	[sflag:s4] =	ssyncset.s32 $0xFFFFF086  }
0x25: {  	[simem:s6], [sflag:s4] =	dma.local [hbm:s3], $0xF7A  }
0x26: {  	[smem:$0x3F9F] =	sst s1;
	(tag) =	ssettag s2;
	_ =	strace s9  }
0x27: {  	s1 =	sld [smem:$0x3FAF]  }
0x28: {  	s2 =	sld [smem:$0x3FB0]  }
0x29: {  	s4 =	sld [smem:$0x3FB2]  }
0x2a: {  	p0 =	seq.s32 s5, $0x0;
	s5 =	sld [smem:$0x3FB3]  }
0x2b: {  	s6 =	sld [smem:$0x3FB4]  }
0x2c: {  	s7 =	sld [smem:$0x3FB5]  }
0x2d: {  	s3 =	simm.s32 $0x108;
	s8 =	sld [smem:$0x3FB6]  }
0x2e: {  	s3 =	simm.s32 @!p0 $0x1082;
	s9 =	sld [smem:$0x3FB7]  }
0x2f: {  	lr =	sadd.s32 s0, s3;
	s0 =	sld [smem:$0x3FAE]  }
0x30: {  	s3 =	sld [smem:$0x3FB1]  }
0x31: {  	[smem:$0x3FBA] =	sst s10  }
0x32: {  	s10 =	sld [smem:$0x3FB8];
	_ =	sdelay $0x3  }
0x33: {  	p0 =	seq.s32 s10, $0x1;
	s10 =	sld [smem:$0x3FBA];
	_ =	sdelay $0x3  }
0x34: {  	[smem:$0x3FBA] =	sst s10  }
0x35: {  	s10 =	sld [smem:$0x3FB9];
	_ =	sdelay $0x3  }
0x36: {  	p1 =	seq.s32 s10, $0x1;
	s10 =	sld [smem:$0x3FBA];
	_ =	sdelay $0x3  }
0x37: {  	[smem:$0x3FBA] =	sst s10  }
0x38: {  	s10 =	sld [smem:$0x3FBB]  }
0x39: {  	_ = 	snop;
	(pc) =	sbr.ind lr, $3  }
0x3a: {  	_ = 	snop  }
0x3b: {  	_ = 	snop  }
0x3c: {  	p2 =	seq.s32 s10, $0x1;
	s10 =	sld [smem:$0x3FBA]  }
0x3d: {  	_ =	shalt  }
0x3e: {  	_ =	shalt  }
0x3f: {  	_ =	shalt  }
0x40: {  	_ =	shalt  }
0x41: {  	_ =	shalt  }
0x42: {  	_ =	shalt  }
0x43: {  	_ =	shalt  }
0x44: {  	_ =	shalt  }
0x45: {  	_ =	shalt  }
0x46: {  	_ =	shalt  }
0x47: {  	_ =	shalt  }
0x48: {  	_ =	shalt  }
0x49: {  	_ =	shalt  }
0x4a: {  	_ =	shalt  }
0x4b: {  	_ =	shalt  }
0x4c: {  	_ =	shalt  }
0x4d: {  	_ =	shalt  }
0x4e: {  	_ =	shalt  }
0x4f: {  	_ =	shalt  }
0x50: {  	_ =	shalt  }
0x51: {  	_ =	shalt  }
0x52: {  	_ =	shalt  }
0x53: {  	_ =	shalt  }
0x54: {  	_ =	shalt  }
0x55: {  	_ =	shalt  }
0x56: {  	_ =	shalt  }
0x57: {  	_ =	shalt  }
0x58: {  	_ =	shalt  }
0x59: {  	_ =	shalt  }
0x5a: {  	_ =	shalt  }
0x5b: {  	_ =	shalt  }
0x5c: {  	_ =	shalt  }
0x5d: {  	_ =	shalt  }
0x5e: {  	_ =	shalt  }
0x5f: {  	_ =	shalt  }
0x60: {  	_ =	shalt  }
0x61: {  	_ =	shalt  }
0x62: {  	_ =	shalt  }
0x63: {  	_ =	shalt  }
0x64: {  	_ =	shalt  }
0x65: {  	_ =	shalt  }
0x66: {  	_ =	shalt  }
0x67: {  	_ =	shalt  }
0x68: {  	_ =	shalt  }
0x69: {  	_ =	shalt  }
0x6a: {  	_ =	shalt  }
0x6b: {  	_ =	shalt  }
0x6c: {  	_ =	shalt  }
0x6d: {  	_ =	shalt  }
0x6e: {  	_ =	shalt  }
0x6f: {  	_ =	shalt  }
0x70: {  	_ =	shalt  }
0x71: {  	_ =	shalt  }
0x72: {  	_ =	shalt  }
0x73: {  	_ =	shalt  }
0x74: {  	_ =	shalt  }
0x75: {  	_ =	shalt  }
0x76: {  	_ =	shalt  }
0x77: {  	_ =	shalt  }
0x78: {  	_ =	shalt  }
0x79: {  	_ =	shalt  }
0x7a: {  	_ =	shalt  }
0x7b: {  	_ =	shalt  }
0x7c: {  	_ =	shalt  }
0x7d: {  	_ =	shalt  }
0x7e: {  	_ =	shalt  }
0x7f: {  	_ =	shalt  }
0x80: {  	_ =	shalt  }
0x81: {  	_ =	shalt  }
0x82: {  	_ =	shalt  }
0x83: {  	_ =	shalt  }
0x84: {  	_ =	shalt  }
0x85: {  	_ =	shalt  }
0x86: {  	_ =	shalt  }
0x87: {  	_ =	shalt  }
.Lfunc_end0:
.L_simem_size_0:
called_computation_lowered:
.L_overlay_start_0:
0x88: {  	s2 =	sld [smem:$0x3FD9]  }
0x89: {  	s3 =	sld [smem:$0x3FFE];
	_ =	sdelay $0x1  }
0x8a: {  	s1 =	srdreg.scid  }
0x8b: {  	s0 =	sand.u32 $0x1, s1  }
0x8c: {  	s15 =	sshll.u32 s0, $0xA;
	s2 =	sadd.s32 s3, s2  }
0x8d: {  	s2 =	sadd.s32 s2, s15  }
0x8e: {  	[smem:$0x3FC6] =	sst s2  }
0x8f: {  	_ = 	snop  }
0x90: {  	s2 =	sld [smem:$0x3FD0];
	_ =	sdelay $0x2  }
0x91: {  	s4 =	simm.s32 $0xB;
	s16 =	simm.s32 $0x10  }
0x92: {  	[smem:s16], [sflag:s4] =	dma.local [hbm:s2], $0x1  }
0x93: {  	_ =	swait.eq [sflag:s4], $0x1  }
0x94: {  	[sflag:s4] =	ssyncset.done $0x0  }
0x95: {  	s17 =	sld [smem:$0x10];
	[sflag:s4] =	ssyncadd.s32 $0xFFFFFFFF  }
0x96: {  	s18 =	sld [smem:$0x11];
	(tm) =	ssettm $0x1  }
0x97: {  	s19 =	sld [smem:$0x3FFB];
	_ =	sdelay $0x3  }
0x98: {  	_ =	strace s19  }
0x99: {  	s2 =	sld [smem:$0x3FFC];
	_ =	sdelay $0x3  }
0x9a: {  	_ =	strace s2  }
0x9b: {  	s2 =	sld [smem:$0x3FFD];
	_ =	sdelay $0x3  }
0x9c: {  	_ =	strace s2  }
0x9d: {  	_ =	strace $0x8FFFFFFF  }
0x9e: {  	s20 =	sld [smem:$0x3FDB];
	_ =	sdelay $0x1  }
0x9f: {  	s5 =	simm.s32 $_scs_section_size  }
0xa0: {  	s6 =	simm.s32 $_size__tile_overlayer_lowered;
	s7 =	simm.s32 $_tile_overlayer_lowered  }
0xa1: {  	s8 =	simm.s32 $0x1BFF;
	s21 =	sshll.u32 s7, $0x1;
	s5 =	sadd.s32 s5, s20  }
0xa2: {  	s22 =	simm.s32 $0x0;
	s6 =	sshll.u32 s6, $0x1;
	s7 =	sadd.s32 s21, s5  }
0xa3: {  	[timem:s22], [sflag:s8] =	dma.local [hbm:s7], s6  }
0xa4: {  	_ =	swait.ge [sflag:s8], s6  }
0xa5: {  	s6 =	ssub.s32 $0x0, s6;
	[sflag:s8] =	ssyncset.done $0x0  }
0xa6: {  	[sflag:s8] =	ssyncadd.s32 s6;
	_ =	sdelay $0x1  }
0xa7: {  	s23 =	simm.s32 $0x1B8B  }
0xa8: {  	_ =	swait.ge [sflag:s23], $0x1  }
0xa9: {  	[sflag:s23] =	ssyncset.done $0x0  }
0xaa: {  	[sflag:s23] =	ssyncadd.s32 $0xFFFFFFFF  }
0xab: {  	s6 =	sld [smem:$0x0]  }
0xac: {  	s7 =	sand.u32 $0xFFFFFFFE, s1  }
0xad: {  	p0 =	sne.s32 s1, s7  }
0xae: {  	s7 =	sshll.u32 @p0 s7, $0xE  }
0xaf: {  	s7 =	sadd.s32 @p0 $0x11B8D, s7;
	s8 =	sshll.u32 @p0 s6, $0x11  }
0xb0: {  	s7 =	sor.u32 @p0 s8, s7  }
0xb1: {  	[sflag:s7] =	ssyncadd.remote.s32 @p0 $0x1;
	_ =	sdelay $0x1  }
0xb2: {  	s7 =	simm.s32 @p0 $0x1B8D  }
0xb3: {  	_ =	swait.eq @p0 [sflag:s7], $0x1  }
0xb4: {  	[sflag:s7] =	ssyncadd.s32 @p0 $0xFFFFFFFF  }
0xb5: {  	s8 =	sshll.u32 @!p0 s1, $0xE  }
0xb6: {  	s8 =	sor.u32 @!p0 $0x4000, s8;
	s7 =	simm.s32 @!p0 $0x1B8D  }
0xb7: {  	s6 =	sshll.u32 @!p0 s6, $0x11;
	s8 =	sadd.s32 @!p0 $0x11B8D, s8;
	_ =	swait.eq @!p0 [sflag:s7], $0x1  }
0xb8: {  	s6 =	sor.u32 @!p0 s6, s8;
	[sflag:s7] =	ssyncadd.s32 @!p0 $0xFFFFFFFF  }
0xb9: {  	s25 =	simm.s32 $0x1B8E;
	s24 =	sld [smem:$0x3FFE];
	[sflag:s6] =	ssyncadd.remote.s32 @!p0 $0x1  }
0xba: {  	s26 =	simm.s32 $execute0_lowered;
	[smem:$0x3FD2] =	sst s25  }
0xbb: {  	s7 =	sshll.u32 s26, $0x1;
	_ =	strace $0x80000049;
	[dreg:$0x1] =	wrdreg $0xFFFFFFFF  }
0xbc: {  	s28 =	simm.s32 $_size_execute0_lowered;
	s5 =	sadd.s32 s5, s7;
	[dreg:$0x0] =	wrdreg $0x0  }
0xbd: {  	s7 =	sshll.u32 s28, $0x1;
	[dreg:$0x2] =	wrdreg s5  }
0xbe: {  	[dreg:$0x3] =	wrdreg s7  }
0xbf: {  	[dreg:$0x4] =	wrdreg $0xC0  }
0xc0: {  	_ =	task [dreg:s22], $0x5FFFF  }
0xc1: {  	[dreg:$0x1] =	wrdreg $0xFFFFFFFF  }
0xc2: {  	[dreg:$0x0] =	wrdreg $0x60  }
0xc3: {  	[dreg:$0x2] =	wrdreg s24  }
0xc4: {  	[dreg:$0x3] =	wrdreg s18  }
0xc5: {  	[dreg:$0x4] =	wrdreg s17  }
0xc6: {  	[dreg:$0x5] =	wrdreg $0x9  }
0xc7: {  	_ =	task.clear_ibuf [dreg:s22], $0x6FFFF;
	_ =	strace $0x90000049  }
0xc8: {  	s29 =	simm.s32 $0x9;
	_ =	strace $0x8000004B  }
0xc9: {  	_ =	swait.ge [sflag:s29], $0x1  }
0xca: {  	[sflag:s29] =	ssyncadd.s32 $0xFFFFFFFF  }
0xcb: {  	_ =	strace $0x9000004B  }
0xcc: {  	_ =	sfence  }
0xcd: {  	s30 =	sld [smem:$0x0];
	_ =	sdelay $0x2  }
0xce: {  	s31 =	sshll.u32 s1, $0xD;
	s1 =	sshrl.u32 s1, $0x2  }
0xcf: {  	s4 =	sand.u32 $0x4000, s31;
	s1 =	sadd.s32 s1, s30  }
0xd0: {  	s0 =	sor.u32 s4, s0;
	s1 =	sshll.u32 s1, $0x11  }
0xd1: {  	s0 =	sor.u32 s1, s0  }
0xd2: {  	s0 =	sadd.s32 $0x8F2B, s0  }
0xd3: {  	[sflag:s0] =	ssyncadd.remote.s32 $0x1  }
0xd4: {  	_ =	sfence.sel $0xFFFF  }
0xd5: {  	[dreg:$0x0] =	wrdreg $0xFFFFFFFF;
	(pc) =	sbr.abs _section_cstart, $3  }
0xd6: {  	[dreg:$0x1] =	wrdreg $0xFFFFFFFF  }
0xd7: {  	_ =	task.clear_ibuf [dreg:s22], $0x2FFFF;
	_ =	strace $0x9FFFFFFF  }
0xd8: {  	(tm) =	ssettm $0x7FFFFFFF  }
0xd9: {  	_ =	shalt  }
tec
execute0_lowered:
.L_overlay_start_1:
0x0: {  	(tag) =	ssettag $0x1  }
0x1: {  	s3 =	rddreg [dreg:$0x0]  }
0x2: {  	s4 =	rddreg [dreg:$0x1]  }
0x3: {  	s5 =	rddreg [dreg:$0x2]  }
0x4: {  	s0 =	rddreg [dreg:$0x3];
	s6 =	srdreg.scid  }
0x5: {  	s1 =	stileid.u32;
	s2 =	simm.s32 $0x0;
	s9 =	simm.s32 $0x5000  }
0x6: {  	s10 =	simm.s32 $0x0;
	s6 =	sand.u32 $0x1, s6;
	s7 =	sshll.u32 s1, $0x1  }
0x7: {  	[smem:$0x7FF] =	sst s2;
	s7 =	sor.u32 s6, s7;
	s6 =	ssub.s32 $0x2, s6  }
0x8: {  	v0 =	vlaneseq.u32;
	_ =	strace $0x8000004A;
	s8 =	sshll.u32 s7, $0xB;
	s31 =	sshrl.u32 s6, $0x1  }
0x9: {  	v4 =	vmul.u32 $0xFFFFFFFF, v0;
	s7 =	sshll.u32 s7, $0x9;
	s3 =	sadd.s32 s8, s3;
	s6 =	ssub.s32 s6, s31  }
0xa: {  	v1 =	vor.u32 $0x10, v0;
	s4 =	sadd.s32 s4, s7;
	s5 =	sadd.s32 s5, s7;
	s7 =	simm.s32 $0x1  }
0xb: {  	v2 =	vor.u32 $0x20, v0;
	v3 =	vor.u32 $0x30, v0;
	v4 =	vadd.s32 $0xF, v4;
	s8 =	simm.s32 $0x4000;
	s3 =	sadd.s32 $0x19600, s3;
	s6 =	smax.u32 s6, $0x1  }
.LBB2_1:
0xc: {  	[tilespmem:s2], [sflag:$0x1] =	stream.linear.gather [hbm4b:s3+s2], $0x4000, $0x38;
	[tilespmem:$0x6000] =	vst v63  }
0xd: {  	_ =	swait.ge [sflag:s7], $0x4000  }
0xe: {  	[sflag:s7] =	ssyncset.done $0x0  }
0xf: {  	s12 =	simm.s32 $0x20;
	[sflag:s7] =	ssyncadd.s32 $0xFFFFC000  }
0x10: {  	s13 =	simm.s32 $0x40;
	s11 =	simm.s32 $0x0;
	v5 =	vld [tilespmem:s12+$0x10]  }
.LBB2_2:
0x11: {  	p0 =	sne.s32 s13, $0x3FC0;
	v6 =	vld [tilespmem:s12+$0xFFFFFFF0]  }
0x12: {  	v7 =	vld [tilespmem:s12+$0x0]  }
0x13: {  	v8 =	vld [tilespmem:s12+$0xFFFFFFE0];
	_ =	sdelay $0x1  }
0x14: {  	(xrf1) =	vsort.dscd.msk.f32 $0xffff, v5, v3  }
0x15: {  	(xrf1) =	vsort.dscd.msk.f32 $0xffff, v6, v1  }
0x16: {  	(xrf1) =	vsort.dscd.msk.f32 $0xffff, v7, v2  }
0x17: {  	(xrf1) =	vsort.dscd.msk.f32 $0xffff, v8, v0;
	_ =	sdelay $0xa  }
0x18: {  	v5, v6, _ =	vpop (xrf1)  }
0x19: {  	v5 =	vperm.xlane v5, v4;
	v6 =	vperm.xlane v6, v4;
	v7, v8, _ =	vpop (xrf1)  }
0x1a: {  	v7 =	vperm.xlane v7, v4;
	v9, v10, _ =	vpop (xrf1)  }
0x1b: {  	v8 =	vperm.xlane v8, v4;
	vm0 =	veq.f32 v9, v5;
	vm1 =	vlt.s32 v10, v6;
	v11, v12, _ =	vpop (xrf1)  }
0x1c: {  	vm3 =	vgt.f32 v9, v5;
	vm2 =	vgt.f32 v11, v7;
	vm0 =	vmand vm0, vm1  }
0x1d: {  	vm1 =	veq.f32 v11, v7;
	vm4 =	vlt.s32 v12, v8;
	vm0 =	vmor vm3, vm0  }
0x1e: {  	vm1 =	vmand vm1, vm4;
	v5 =	vsel vm0, v9, v5;
	v6 =	vsel vm0, v10, v6  }
0x1f: {  	vm0 =	vmor vm2, vm1;
	(xrf1) =	vsort.dscd.msk.f32 $0xffff, v5, v6  }
0x20: {  	v5 =	vsel vm0, v11, v7;
	v6 =	vsel vm0, v12, v8  }
0x21: {  	(xrf1) =	vsort.dscd.msk.f32 $0xffff, v5, v6;
	_ =	sdelay $0xb  }
0x22: {  	v5, v6, _ =	vpop (xrf1)  }
0x23: {  	v5 =	vperm.xlane v5, v4;
	v6 =	vperm.xlane v6, v4  }
0x24: {  	v7, v8, _ =	vpop (xrf1)  }
0x25: {  	vm0 =	veq.f32 v7, v5;
	vm1 =	vlt.s32 v8, v6  }
0x26: {  	vm2 =	vgt.f32 v7, v5;
	vm0 =	vmand vm0, vm1  }
0x27: {  	vm0 =	vmor vm2, vm0  }
0x28: {  	v5 =	vsel vm0, v7, v5;
	v6 =	vsel vm0, v8, v6  }
0x29: {  	(xrf1) =	vsort.dscd.msk.f32 $0xffff, v5, v6;
	_ =	sdelay $0xc  }
.Ltmp0:
0x2a: {  	(pc) =	sbr.rel @p0 .LBB2_2-.Ltmp0, $4  }
0x2b: {  	s14 =	sshra.s32 s11, $0x2;
	s11 =	smov.u32 s13;
	v5, v6, _ =	vpop (xrf1)  }
0x2c: {  	[tilespmem:s14+$0x5000] =	vst v6  }
0x2d: {  	s12 =	sadd.s32 $0x40, s12;
	[tilespmem:s14+$0x4000] =	vst v5  }
0x2e: {  	s13 =	sadd.s32 $0x40, s13;
	v5 =	vld [tilespmem:s12+$0x10]  }
0x2f: {  	v6 =	vld [tilespmem:s12+$0xFFFFFFF0]  }
0x30: {  	v7 =	vld [tilespmem:s12+$0x0]  }
0x31: {  	v8 =	vld [tilespmem:s12+$0xFFFFFFE0];
	_ =	sdelay $0x1  }
0x32: {  	(xrf1) =	vsort.dscd.msk.f32 $0xffff, v5, v3  }
0x33: {  	(xrf1) =	vsort.dscd.msk.f32 $0xffff, v6, v1  }
0x34: {  	(xrf1) =	vsort.dscd.msk.f32 $0xffff, v7, v2  }
0x35: {  	(xrf1) =	vsort.dscd.msk.f32 $0xffff, v8, v0;
	_ =	sdelay $0xa  }
0x36: {  	v5, v6, _ =	vpop (xrf1)  }
0x37: {  	v5 =	vperm.xlane v5, v4;
	v6 =	vperm.xlane v6, v4;
	v7, v62, _ =	vpop (xrf1)  }
0x38: {  	v7 =	vperm.xlane v7, v4;
	v9, v10, _ =	vpop (xrf1)  }
0x39: {  	v8 =	vperm.xlane v62, v4;
	vm0 =	veq.f32 v9, v5;
	vm1 =	vlt.s32 v10, v6;
	v11, v12, _ =	vpop (xrf1)  }
0x3a: {  	vm3 =	vgt.f32 v9, v5;
	vm2 =	vgt.f32 v11, v7;
	vm0 =	vmand vm0, vm1  }
0x3b: {  	vm11 =	veq.f32 v11, v7;
	vm4 =	vlt.s32 v12, v8;
	vm0 =	vmor vm3, vm0  }
0x3c: {  	vm1 =	vmand vm11, vm4;
	v5 =	vsel vm0, v9, v5;
	v6 =	vsel vm0, v10, v6  }
0x3d: {  	vm12 =	vmor vm2, vm1;
	(xrf1) =	vsort.dscd.msk.f32 $0xffff, v5, v6  }
0x3e: {  	v5 =	vsel vm12, v11, v7;
	v6 =	vsel vm12, v12, v8  }
0x3f: {  	(xrf1) =	vsort.dscd.msk.f32 $0xffff, v5, v6;
	_ =	sdelay $0xb  }
0x40: {  	v5, v6, _ =	vpop (xrf1)  }
0x41: {  	v5 =	vperm.xlane v5, v4;
	v6 =	vperm.xlane v6, v4  }
0x42: {  	v7, v63, _ =	vpop (xrf1)  }
0x43: {  	vm13 =	veq.f32 v7, v5;
	vm14 =	vlt.s32 v63, v6  }
0x44: {  	vm15 =	vgt.f32 v7, v5;
	vm0 =	vmand vm13, vm14  }
0x45: {  	vm0 =	vmor vm15, vm0  }
0x46: {  	v5 =	vsel vm0, v7, v5;
	v6 =	vsel vm0, v63, v6  }
0x47: {  	(xrf1) =	vsort.dscd.msk.f32 $0xffff, v5, v6;
	_ =	sdelay $0xd  }
0x48: {  	s11 =	sshra.s32 s11, $0x2;
	v5, v6, _ =	vpop (xrf1)  }
0x49: {  	[tilespmem:s11+$0x5000] =	vst v6  }
0x4a: {  	[tilespmem:s11+$0x4000] =	vst v5  }
0x4b: {  	[hbm4b:s4+s2] =	stream.linear.scatter [tilespmem:s8], [sflag:$0x1], $0x1000, $0x38;
	[tilespmem:$0x6000] =	vst v63  }
0x4c: {  	s10 =	sadd.s32 $0x1, s10;
	_ =	swait.ge [sflag:s7], $0x1000  }
0x4d: {  	p0 =	sne.s32 s10, s6;
	[sflag:s7] =	ssyncset.done $0x0  }
.Ltmp1:
0x4e: {  	[sflag:s7] =	ssyncadd.s32 $0xFFFFF000;
	(pc) =	sbr.rel @p0 .LBB2_1-.Ltmp1, $4  }
0x4f: {  	[hbm4b:s5+s2] =	stream.linear.scatter [tilespmem:s9], [sflag:$0x1], $0x1000, $0x38;
	[tilespmem:$0x6000] =	vst v63  }
0x50: {  	_ =	swait.ge [sflag:s7], $0x1000  }
0x51: {  	[sflag:s7] =	ssyncset.done $0x0  }
0x52: {  	[sflag:s7] =	ssyncadd.s32 $0xFFFFF000  }
0x53: {  	_ =	sfence.sel $0x180000  }
0x54: {  	[bflag:$0x0] =	sbarrier.arrive $0xFFFF  }
0x55: {  	p0 =	sne.s32 s1, $0x0;
	_ =	strace $0x9000004A  }
0x56: {  	s0 =	sadd.s32 @!p0 $0x100000, s0;
	[bflag:$0x2] =	sbarrier.arrive $0xFFFF  }
0x57: {  	[sflag:s0] =	ssyncadd.tile.s32 @!p0 $0x1;
	_ =	shalt  }
.Lfunc_end2:
_tile_overlayer_lowered:
.L_overlay_start_2:
0x58: {  	(tag) =	ssettag $0x2  }
0x59: {  	s0 =	rddreg [dreg:$0x0];
	s2 =	stileid.u32  }
0x5a: {  	s1 =	rddreg [dreg:$0x1];
	p0 =	sne.s32 s2, $0x0  }
0x5b: {  	s3 =	rddreg [dreg:$0x2];
	[bflag:$0x3] =	sbarrier.arrive $0xFFFF;
	s2 =	simm.s32 @!p0 $0x1C01  }
0x5c: {  	[timem:s3], [sflag:s2] =	dma.local @!p0 [hbm:s0], s1  }
0x5d: {  	s0 =	simm.s32 @!p0 $0x1  }
0x5e: {  	_ =	swait.ge @!p0 [sflag:s0], s1  }
0x5f: {  	s1 =	ssub.s32 @!p0 $0x0, s1;
	[sflag:s0] =	ssyncset.done @!p0 $0x0  }
0x60: {  	[sflag:s0] =	ssyncadd.s32 @!p0 s1  }
0x61: {  	[bflag:$0x3] =	sbarrier.arrive $0xFFFF  }
0x62: {  	_ =	shalt  }

</sc_bundles>
